<compile_context>
chip_gen: v7x
topology: tpu7x:2x2x1
jax: 0.10.2.dev20260603
libtpu: 0.0.44.dev20260713+nightly
codegen_flags: <defaults>
</compile_context>

<pallas_src>
import jax
import jax.numpy as jnp
from jax import lax
from jax.experimental import pallas as pl
from jax.experimental.pallas import tpu as pltpu
from jax.experimental.pallas import tpu_sc as plsc

B = 320000
D = 128
DB = 16
V = 10000
EC = 1280
NCH = B // EC
GPC = EC // 16
BE = 640
NBC = B // BE
NSP = 16
NKMAX = -(-NBC // NSP)


def _join_t_body(ut_hbm, bt_hbm, idx12_hbm, out_hbm,
                 urow_v, iva, ivb, bva, bvb, bn0, bn1, bn2, bn3,
                 gsa, gsb, ssa, ssb):
    wid = lax.axis_index("s") * 2 + lax.axis_index("c")
    g = wid // 16
    cbase = lax.rem(wid, 16) * 8
    rowbase = g * D + cbase
    ibase = g * B

    pltpu.sync_copy(ut_hbm.at[pl.ds(cbase, 8)], urow_v)

    def idx_copy(chunk, iv, sem):
        return pltpu.make_async_copy(
            idx12_hbm.at[pl.ds(ibase + chunk * EC, EC)], iv, sem)

    def store_copy(chunk, bv, sem):
        base = chunk * EC
        return pltpu.make_async_copy(
            bv, out_hbm.at[pl.ds(rowbase, 8), pl.ds(base, EC)], sem)

    vcs = [jnp.full((16,), c, dtype=jnp.int32) for c in range(8)]

    def compute(iv, bv):
        @plsc.parallel_loop(0, EC, step=16, unroll=4)
        def _(off):
            vi = iv[pl.ds(off, 16)]
            for c in range(8):
                bv[c, pl.ds(off, 16)] = plsc.load_gather(urow_v, [vcs[c], vi])

    idx_copy(0, iva, gsa).start()

    def step(t, carry):
        ca = 2 * t
        cb = 2 * t + 1
        idx_copy(cb, ivb, gsb).start()
        idx_copy(ca, iva, gsa).wait()

        @pl.when(t >= 1)
        def _():
            store_copy(ca - 2, bva, ssa).wait()
        compute(iva, bva)
        store_copy(ca, bva, ssa).start()

        @pl.when(cb + 1 < NCH)
        def _():
            idx_copy(cb + 1, iva, gsa).start()
        idx_copy(cb, ivb, gsb).wait()

        @pl.when(t >= 1)
        def _():
            store_copy(cb - 2, bvb, ssb).wait()
        compute(ivb, bvb)
        store_copy(cb, bvb, ssb).start()
        return carry

    lax.fori_loop(0, NCH // 2, step, 0)
    store_copy(NCH - 2, bva, ssa).wait()
    store_copy(NCH - 1, bvb, ssb).wait()

    bb = lax.rem(wid, 2) * 8
    sp = wid // 2
    bbufs = (bn0, bn1, bn2, bn3)
    lsems = (gsa, gsb)
    tsems = (ssa, ssb)

    def bchunk(k):
        return sp + NSP * k

    def bin_load(k, slot):
        base = bchunk(k) * BE
        return pltpu.make_async_copy(
            bt_hbm.at[pl.ds(bb, 8), pl.ds(base, BE)],
            bbufs[slot], lsems[slot % 2])

    def bin_store(k, slot):
        base = bchunk(k) * BE
        return pltpu.make_async_copy(
            bbufs[slot], out_hbm.at[pl.ds(2 * D + bb, 8), pl.ds(base, BE)],
            tsems[slot % 2])

    bin_load(0, 0).start()
    bin_load(1, 1).start()

    def bstep(t, carry):
        for u in range(4):
            k = 4 * t + u

            @pl.when(bchunk(k) < NBC)
            def _():
                bin_load(k, u).wait()
                bin_store(k, u).start()

            @pl.when((k >= 2) & (bchunk(k - 2) < NBC))
            def _():
                bin_store(k - 2, (u + 2) % 4).wait()

            @pl.when(bchunk(k + 2) < NBC)
            def _():
                bin_load(k + 2, (u + 2) % 4).start()
        return carry

    lax.fori_loop(0, -(-NKMAX // 4), bstep, 0)
    kk = NKMAX - 1
    @pl.when(bchunk(kk) < NBC)
    def _():
        bin_store(kk, kk % 4).wait()


@jax.jit
def _join(unary, binary, index1, index2):
    mesh = plsc.VectorSubcoreMesh(core_axis_name="c", subcore_axis_name="s")
    out_t = pl.kernel(
        _join_t_body,
        mesh=mesh,
        compiler_params=pltpu.CompilerParams(needs_layout_passes=False),
        out_type=jax.ShapeDtypeStruct((2 * D + DB, B), jnp.float32),
        scratch_types=[
            pltpu.VMEM((8, V), jnp.float32),
            pltpu.VMEM((EC,), jnp.int32),
            pltpu.VMEM((EC,), jnp.int32),
            pltpu.VMEM((8, EC), jnp.float32),
            pltpu.VMEM((8, EC), jnp.float32),
            pltpu.VMEM((8, BE), jnp.float32),
            pltpu.VMEM((8, BE), jnp.float32),
            pltpu.VMEM((8, BE), jnp.float32),
            pltpu.VMEM((8, BE), jnp.float32),
            pltpu.SemaphoreType.DMA,
            pltpu.SemaphoreType.DMA,
            pltpu.SemaphoreType.DMA,
            pltpu.SemaphoreType.DMA,
        ],
    )(jnp.transpose(unary), jnp.transpose(binary),
      jnp.concatenate([index1, index2]))
    return jnp.transpose(out_t)


def kernel(unary, binary, index1, index2):
    index1 = jnp.squeeze(index1).astype(jnp.int32)
    index2 = jnp.squeeze(index2).astype(jnp.int32)
    return _join(unary, binary, index1, index2)

# --- scband reference (transcript-rebuilt; emitter-appended) ---
"""Pipeline reference for scband-join-1580547966999 (READ-ONLY COPY).

The authoritative reference and input builder live on the scoring server;
editing this copy changes nothing except your own understanding.
"""

import jax, jax.numpy as jnp
import numpy as np


def setup_inputs(seed: int = 0) -> dict:
    key = jax.random.key(seed)
    k1, k2, k3, k4 = jax.random.split(key, 4)
    unary = jax.random.normal(k1, (10000, 128), dtype=jnp.float32)
    binary = jax.random.normal(k2, (320000, 16), dtype=jnp.float32)
    index1 = jax.random.randint(k3, (320000,), 0, 10000, dtype=jnp.int64 if jax.config.jax_enable_x64 else jnp.int32)
    index2 = jax.random.randint(k4, (320000,), 0, 10000, dtype=jnp.int64 if jax.config.jax_enable_x64 else jnp.int32)
    return {"unary": unary, "binary": binary, "index1": index1, "index2": index2}


def reference(unary, binary, index1, index2):
    # torch.squeeze on a [b] vector is a no-op; handle the scalar edge case faithfully
    index1 = jnp.squeeze(index1)
    index2 = jnp.squeeze(index2)
    if index1.ndim == 0 and index2.ndim == 0:
        index1 = jnp.expand_dims(index1, 0)
        index2 = jnp.expand_dims(index2, 0)
    u1 = jnp.take(unary, index1, axis=0)
    u2 = jnp.take(unary, index2, axis=0)
    return jnp.concatenate([u1, u2, binary], axis=1)

if __name__ == "__main__":
    import jax
    _d = setup_inputs()
    print(jax.jit(kernel)(*tuple(_d.values())))

</pallas_src>

<mosaic_0001>
#map = affine_map<(d0, d1) -> (0, 0)>
#map1 = affine_map<(d0, d1) -> (0)>
module attributes {stable_mosaic.version = 14 : i64} {
  func.func @_join_t_body(%arg0: i32, %arg1: i32, %arg2: memref<128x10000xf32, #tpu.memory_space<hbm>>, %arg3: memref<16x320000xf32, #tpu.memory_space<hbm>>, %arg4: memref<640000xi32, #tpu.memory_space<hbm>>, %arg5: memref<272x320000xf32, #tpu.memory_space<hbm>>, %arg6: memref<8x10000xf32, #tpu.memory_space<vmem>>, %arg7: memref<1280xi32, #tpu.memory_space<vmem>>, %arg8: memref<1280xi32, #tpu.memory_space<vmem>>, %arg9: memref<8x1280xf32, #tpu.memory_space<vmem>>, %arg10: memref<8x1280xf32, #tpu.memory_space<vmem>>, %arg11: memref<8x640xf32, #tpu.memory_space<vmem>>, %arg12: memref<8x640xf32, #tpu.memory_space<vmem>>, %arg13: memref<8x640xf32, #tpu.memory_space<vmem>>, %arg14: memref<8x640xf32, #tpu.memory_space<vmem>>, %arg15: memref<!tpu.dma_semaphore, #tpu.memory_space<semaphore_mem>>, %arg16: memref<!tpu.dma_semaphore, #tpu.memory_space<semaphore_mem>>, %arg17: memref<!tpu.dma_semaphore, #tpu.memory_space<semaphore_mem>>, %arg18: memref<!tpu.dma_semaphore, #tpu.memory_space<semaphore_mem>>) attributes {dimension_semantics = [#tpu.dimension_semantics<core_parallel>, #tpu.dimension_semantics<subcore_parallel>], iteration_bounds = array<i64: 2, 16>, scalar_prefetch = 0 : i64, scratch_operands = 13 : i64, tpu.core_type = #tpu.core_type<sc_vector_subcore>, window_params = [{transform_indices = #map}, {transform_indices = #map}, {transform_indices = #map1}, {transform_indices = #map}]} {
    %mul3A = arith.constant 2 : i32
    %mul3A_0 = arith.muli %arg1, %mul3A : i32
    %add3A = arith.addi %mul3A_0, %arg0 : i32
    %jit3A = arith.constant 16 : i32
    %div3A = arith.divsi %add3A, %jit3A : i32
    %sign3A = arith.constant 0 : i32
    %sign3A_1 = arith.cmpi sgt, %add3A, %sign3A : i32
    %sign3A_2 = arith.extui %sign3A_1 : i1 to i32
    %sign3A_3 = arith.constant 0 : i32
    %sign3A_4 = arith.cmpi slt, %add3A, %sign3A_3 : i32
    %sign3A_5 = arith.extui %sign3A_4 : i1 to i32
    %sign3A_6 = arith.subi %sign3A_2, %sign3A_5 : i32
    %sign3A_7 = arith.constant 0 : i32
    %sign3A_8 = arith.cmpi sgt, %jit3A, %sign3A_7 : i32
    %sign3A_9 = arith.extui %sign3A_8 : i1 to i32
    %sign3A_10 = arith.constant 0 : i32
    %sign3A_11 = arith.cmpi slt, %jit3A, %sign3A_10 : i32
    %sign3A_12 = arith.extui %sign3A_11 : i1 to i32
    %sign3A_13 = arith.subi %sign3A_9, %sign3A_12 : i32
    %ne3A = arith.cmpi ne, %sign3A_6, %sign3A_13 : i32
    %rem3A = arith.remsi %add3A, %jit3A : i32
    %ne3A_14 = arith.constant 0 : i32
    %ne3A_15 = arith.cmpi ne, %rem3A, %ne3A_14 : i32
    %and3A = arith.andi %ne3A, %ne3A_15 : i1
    %sub3A = arith.constant 1 : i32
    %sub3A_16 = arith.subi %div3A, %sub3A : i32
    %select_n3A = arith.select %and3A, %sub3A_16, %div3A : i32
    %rem3A_17 = arith.constant 16 : i32
    %rem3A_18 = arith.remsi %add3A, %rem3A_17 : i32
    %mul3A_19 = arith.constant 8 : i32
    %mul3A_20 = arith.muli %rem3A_18, %mul3A_19 : i32
    %mul3A_21 = arith.constant 128 : i32
    %mul3A_22 = arith.muli %select_n3A, %mul3A_21 : i32
    %add3A_23 = arith.addi %mul3A_22, %mul3A_20 : i32
    %mul3A_24 = arith.constant 320000 : i32
    %mul3A_25 = arith.muli %select_n3A, %mul3A_24 : i32
    "tpu.region"() ({
      %run_scoped3A = tpu.sem_alloc : memref<!tpu.dma_semaphore, #tpu.memory_space<semaphore_mem>>
      %dma_start3A_106 = arith.constant 0 : i32
      %dma_start3A_107 = tpu.memref_slice %arg2[%mul3A_20, %dma_start3A_106] : memref<128x10000xf32, #tpu.memory_space<hbm>> -> memref<8x10000xf32, #tpu.memory_space<hbm>>
      %dma_start3A_108 = arith.constant 0 : i32
      %dma_start3A_109 = tpu.memref_slice %arg2[%mul3A_20, %dma_start3A_108] : memref<128x10000xf32, #tpu.memory_space<hbm>> -> memref<8x10000xf32, #tpu.memory_space<hbm>>
      tpu.enqueue_dma source(%dma_start3A_109 : memref<8x10000xf32, #tpu.memory_space<hbm>>) target(%arg6 : memref<8x10000xf32, #tpu.memory_space<vmem>>) target_semaphore(%run_scoped3A : memref<!tpu.dma_semaphore, #tpu.memory_space<semaphore_mem>>)
      %dma_wait3A_110 = arith.constant 0 : i32
      %dma_wait3A_111 = tpu.memref_slice %arg2[%mul3A_20, %dma_wait3A_110] : memref<128x10000xf32, #tpu.memory_space<hbm>> -> memref<8x10000xf32, #tpu.memory_space<hbm>>
      %dma_wait3A_112 = arith.constant 0 : i32
      %dma_wait3A_113 = tpu.memref_slice %arg2[%mul3A_20, %dma_wait3A_112] : memref<128x10000xf32, #tpu.memory_space<hbm>> -> memref<8x10000xf32, #tpu.memory_space<hbm>>
      tpu.wait_dma2 semaphore(%run_scoped3A : memref<!tpu.dma_semaphore, #tpu.memory_space<semaphore_mem>>) src(%dma_wait3A_113 : memref<8x10000xf32, #tpu.memory_space<hbm>>) dst(%arg6 : memref<8x10000xf32, #tpu.memory_space<vmem>>)
      tpu.yield
    }) : () -> ()
    %broadcast_in_dim3A = arith.constant 0 : i32
    %broadcast_in_dim3A_26 = vector.broadcast %broadcast_in_dim3A : i32 to vector<16xi32>
    %broadcast_in_dim3A_27 = arith.constant 1 : i32
    %broadcast_in_dim3A_28 = vector.broadcast %broadcast_in_dim3A_27 : i32 to vector<16xi32>
    %broadcast_in_dim3A_29 = arith.constant 2 : i32
    %broadcast_in_dim3A_30 = vector.broadcast %broadcast_in_dim3A_29 : i32 to vector<16xi32>
    %broadcast_in_dim3A_31 = arith.constant 3 : i32
    %broadcast_in_dim3A_32 = vector.broadcast %broadcast_in_dim3A_31 : i32 to vector<16xi32>
    %broadcast_in_dim3A_33 = arith.constant 4 : i32
    %broadcast_in_dim3A_34 = vector.broadcast %broadcast_in_dim3A_33 : i32 to vector<16xi32>
    %broadcast_in_dim3A_35 = arith.constant 5 : i32
    %broadcast_in_dim3A_36 = vector.broadcast %broadcast_in_dim3A_35 : i32 to vector<16xi32>
    %broadcast_in_dim3A_37 = arith.constant 6 : i32
    %broadcast_in_dim3A_38 = vector.broadcast %broadcast_in_dim3A_37 : i32 to vector<16xi32>
    %broadcast_in_dim3A_39 = arith.constant 7 : i32
    %broadcast_in_dim3A_40 = vector.broadcast %broadcast_in_dim3A_39 : i32 to vector<16xi32>
    %add3A_41 = arith.constant 0 : i32
    %add3A_42 = arith.addi %mul3A_25, %add3A_41 : i32
    %dma_start3A = tpu.memref_slice %arg4[%add3A_42] : memref<640000xi32, #tpu.memory_space<hbm>> -> memref<1280xi32, #tpu.memory_space<hbm>>
    %dma_start3A_43 = tpu.memref_slice %arg4[%add3A_42] : memref<640000xi32, #tpu.memory_space<hbm>> -> memref<1280xi32, #tpu.memory_space<hbm>>
    tpu.enqueue_dma source(%dma_start3A_43 : memref<1280xi32, #tpu.memory_space<hbm>>) target(%arg7 : memref<1280xi32, #tpu.memory_space<vmem>>) target_semaphore(%arg15 : memref<!tpu.dma_semaphore, #tpu.memory_space<semaphore_mem>>)
    %scan3A = arith.constant 0 : i32
    %scan3A_44 = arith.constant 0 : i32
    %scan3A_45 = arith.constant 125 : i32
    %scan3A_46 = arith.addi %scan3A_44, %scan3A_45 : i32
    %scan3A_47 = arith.constant 1 : i32
    scf.for %scan3A_106 = %scan3A_44 to %scan3A_46 step %scan3A_47  : i32 {
      %mul3A_107 = arith.constant 2 : i32
      %mul3A_108 = arith.muli %mul3A_107, %scan3A_106 : i32
      %mul3A_109 = arith.constant 2 : i32
      %mul3A_110 = arith.muli %mul3A_109, %scan3A_106 : i32
      %add3A_111 = arith.constant 1 : i32
      %add3A_112 = arith.addi %mul3A_110, %add3A_111 : i32
      %mul3A_113 = arith.constant 1280 : i32
      %mul3A_114 = arith.muli %add3A_112, %mul3A_113 : i32
      %add3A_115 = arith.addi %mul3A_25, %mul3A_114 : i32
      %dma_start3A_116 = tpu.memref_slice %arg4[%add3A_115] : memref<640000xi32, #tpu.memory_space<hbm>> -> memref<1280xi32, #tpu.memory_space<hbm>>
      %dma_start3A_117 = tpu.memref_slice %arg4[%add3A_115] : memref<640000xi32, #tpu.memory_space<hbm>> -> memref<1280xi32, #tpu.memory_space<hbm>>
      tpu.enqueue_dma source(%dma_start3A_117 : memref<1280xi32, #tpu.memory_space<hbm>>) target(%arg8 : memref<1280xi32, #tpu.memory_space<vmem>>) target_semaphore(%arg16 : memref<!tpu.dma_semaphore, #tpu.memory_space<semaphore_mem>>)
      %mul3A_118 = arith.constant 1280 : i32
      %mul3A_119 = arith.muli %mul3A_108, %mul3A_118 : i32
      %add3A_120 = arith.addi %mul3A_25, %mul3A_119 : i32
      %dma_wait3A_121 = tpu.memref_slice %arg4[%add3A_120] : memref<640000xi32, #tpu.memory_space<hbm>> -> memref<1280xi32, #tpu.memory_space<hbm>>
      %dma_wait3A_122 = tpu.memref_slice %arg4[%add3A_120] : memref<640000xi32, #tpu.memory_space<hbm>> -> memref<1280xi32, #tpu.memory_space<hbm>>
      tpu.wait_dma2 semaphore(%arg15 : memref<!tpu.dma_semaphore, #tpu.memory_space<semaphore_mem>>) src(%dma_wait3A_122 : memref<1280xi32, #tpu.memory_space<hbm>>) dst(%arg7 : memref<1280xi32, #tpu.memory_space<vmem>>)
      %ge3A = arith.constant 1 : i32
      %ge3A_123 = arith.cmpi sge, %scan3A_106, %ge3A : i32
      %convert_element_type3A_124 = arith.extui %ge3A_123 : i1 to i32
      %cond3A_125 = arith.constant 0 : i32
      %cond3A_126 = arith.cmpi ne, %convert_element_type3A_124, %cond3A_125 : i32
      scf.if %cond3A_126 {
        %sub3A_157 = arith.constant 2 : i32
        %sub3A_158 = arith.subi %mul3A_108, %sub3A_157 : i32
        %mul3A_159 = arith.constant 1280 : i32
        %mul3A_160 = arith.muli %sub3A_158, %mul3A_159 : i32
        %dma_wait3A_161 = tpu.memref_slice %arg5[%add3A_23, %mul3A_160] : memref<272x320000xf32, #tpu.memory_space<hbm>> -> memref<8x1280xf32, #tpu.memory_space<hbm>>
        %dma_wait3A_162 = tpu.memref_slice %arg5[%add3A_23, %mul3A_160] : memref<272x320000xf32, #tpu.memory_space<hbm>> -> memref<8x1280xf32, #tpu.memory_space<hbm>>
        tpu.wait_dma2 semaphore(%arg17 : memref<!tpu.dma_semaphore, #tpu.memory_space<semaphore_mem>>) src(%arg9 : memref<8x1280xf32, #tpu.memory_space<vmem>>) dst(%dma_wait3A_162 : memref<8x1280xf32, #tpu.memory_space<hbm>>)
      } else {
      }
      %parallel_loop3A = arith.constant 0 : i32
      %parallel_loop3A_127 = arith.constant 1280 : i32
      %parallel_loop3A_128 = arith.constant 16 : i32
      scf.for %parallel_loop3A_157 = %parallel_loop3A to %parallel_loop3A_127 step %parallel_loop3A_128  : i32 {
        %parallel_loop3A_158 = arith.index_cast %parallel_loop3A_157 : i32 to index
        %parallel_loop3A_159 = tpu.vector_load %arg7[%parallel_loop3A_158] {strides = array<i32>} : memref<1280xi32, #tpu.memory_space<vmem>>, vector<16xi32>,
        %parallel_loop3A_160 = tpu.vector_load_idx %arg6[%broadcast_in_dim3A_26, %parallel_loop3A_159] : memref<8x10000xf32, #tpu.memory_space<vmem>>[vector<16xi32>, vector<16xi32>], vector<16xf32>,
        %parallel_loop3A_161 = arith.constant 0 : i32
        %parallel_loop3A_162 = arith.index_cast %parallel_loop3A_161 : i32 to index
        %parallel_loop3A_163 = arith.index_cast %parallel_loop3A_157 : i32 to index
        %parallel_loop3A_164 = tpu.vector_load %arg9[%parallel_loop3A_162, %parallel_loop3A_163] {strides = array<i32>} : memref<8x1280xf32, #tpu.memory_space<vmem>>, vector<16xf32>,
        tpu.vector_store %arg9[%parallel_loop3A_162, %parallel_loop3A_163], %parallel_loop3A_160 {strides = array<i32>} : memref<8x1280xf32, #tpu.memory_space<vmem>>, vector<16xf32>,
        %parallel_loop3A_165 = tpu.vector_load_idx %arg6[%broadcast_in_dim3A_28, %parallel_loop3A_159] : memref<8x10000xf32, #tpu.memory_space<vmem>>[vector<16xi32>, vector<16xi32>], vector<16xf32>,
        %parallel_loop3A_166 = arith.constant 1 : i32
        %parallel_loop3A_167 = arith.index_cast %parallel_loop3A_166 : i32 to index
        %parallel_loop3A_168 = arith.index_cast %parallel_loop3A_157 : i32 to index
        %parallel_loop3A_169 = tpu.vector_load %arg9[%parallel_loop3A_167, %parallel_loop3A_168] {strides = array<i32>} : memref<8x1280xf32, #tpu.memory_space<vmem>>, vector<16xf32>,
        tpu.vector_store %arg9[%parallel_loop3A_167, %parallel_loop3A_168], %parallel_loop3A_165 {strides = array<i32>} : memref<8x1280xf32, #tpu.memory_space<vmem>>, vector<16xf32>,
        %parallel_loop3A_170 = tpu.vector_load_idx %arg6[%broadcast_in_dim3A_30, %parallel_loop3A_159] : memref<8x10000xf32, #tpu.memory_space<vmem>>[vector<16xi32>, vector<16xi32>], vector<16xf32>,
        %parallel_loop3A_171 = arith.constant 2 : i32
        %parallel_loop3A_172 = arith.index_cast %parallel_loop3A_171 : i32 to index
        %parallel_loop3A_173 = arith.index_cast %parallel_loop3A_157 : i32 to index
        %parallel_loop3A_174 = tpu.vector_load %arg9[%parallel_loop3A_172, %parallel_loop3A_173] {strides = array<i32>} : memref<8x1280xf32, #tpu.memory_space<vmem>>, vector<16xf32>,
        tpu.vector_store %arg9[%parallel_loop3A_172, %parallel_loop3A_173], %parallel_loop3A_170 {strides = array<i32>} : memref<8x1280xf32, #tpu.memory_space<vmem>>, vector<16xf32>,
        %parallel_loop3A_175 = tpu.vector_load_idx %arg6[%broadcast_in_dim3A_32, %parallel_loop3A_159] : memref<8x10000xf32, #tpu.memory_space<vmem>>[vector<16xi32>, vector<16xi32>], vector<16xf32>,
        %parallel_loop3A_176 = arith.constant 3 : i32
        %parallel_loop3A_177 = arith.index_cast %parallel_loop3A_176 : i32 to index
        %parallel_loop3A_178 = arith.index_cast %parallel_loop3A_157 : i32 to index
        %parallel_loop3A_179 = tpu.vector_load %arg9[%parallel_loop3A_177, %parallel_loop3A_178] {strides = array<i32>} : memref<8x1280xf32, #tpu.memory_space<vmem>>, vector<16xf32>,
        tpu.vector_store %arg9[%parallel_loop3A_177, %parallel_loop3A_178], %parallel_loop3A_175 {strides = array<i32>} : memref<8x1280xf32, #tpu.memory_space<vmem>>, vector<16xf32>,
        %parallel_loop3A_180 = tpu.vector_load_idx %arg6[%broadcast_in_dim3A_34, %parallel_loop3A_159] : memref<8x10000xf32, #tpu.memory_space<vmem>>[vector<16xi32>, vector<16xi32>], vector<16xf32>,
        %parallel_loop3A_181 = arith.constant 4 : i32
        %parallel_loop3A_182 = arith.index_cast %parallel_loop3A_181 : i32 to index
        %parallel_loop3A_183 = arith.index_cast %parallel_loop3A_157 : i32 to index
        %parallel_loop3A_184 = tpu.vector_load %arg9[%parallel_loop3A_182, %parallel_loop3A_183] {strides = array<i32>} : memref<8x1280xf32, #tpu.memory_space<vmem>>, vector<16xf32>,
        tpu.vector_store %arg9[%parallel_loop3A_182, %parallel_loop3A_183], %parallel_loop3A_180 {strides = array<i32>} : memref<8x1280xf32, #tpu.memory_space<vmem>>, vector<16xf32>,
        %parallel_loop3A_185 = tpu.vector_load_idx %arg6[%broadcast_in_dim3A_36, %parallel_loop3A_159] : memref<8x10000xf32, #tpu.memory_space<vmem>>[vector<16xi32>, vector<16xi32>], vector<16xf32>,
        %parallel_loop3A_186 = arith.constant 5 : i32
        %parallel_loop3A_187 = arith.index_cast %parallel_loop3A_186 : i32 to index
        %parallel_loop3A_188 = arith.index_cast %parallel_loop3A_157 : i32 to index
        %parallel_loop3A_189 = tpu.vector_load %arg9[%parallel_loop3A_187, %parallel_loop3A_188] {strides = array<i32>} : memref<8x1280xf32, #tpu.memory_space<vmem>>, vector<16xf32>,
        tpu.vector_store %arg9[%parallel_loop3A_187, %parallel_loop3A_188], %parallel_loop3A_185 {strides = array<i32>} : memref<8x1280xf32, #tpu.memory_space<vmem>>, vector<16xf32>,
        %parallel_loop3A_190 = tpu.vector_load_idx %arg6[%broadcast_in_dim3A_38, %parallel_loop3A_159] : memref<8x10000xf32, #tpu.memory_space<vmem>>[vector<16xi32>, vector<16xi32>], vector<16xf32>,
        %parallel_loop3A_191 = arith.constant 6 : i32
        %parallel_loop3A_192 = arith.index_cast %parallel_loop3A_191 : i32 to index
        %parallel_loop3A_193 = arith.index_cast %parallel_loop3A_157 : i32 to index
        %parallel_loop3A_194 = tpu.vector_load %arg9[%parallel_loop3A_192, %parallel_loop3A_193] {strides = array<i32>} : memref<8x1280xf32, #tpu.memory_space<vmem>>, vector<16xf32>,
        tpu.vector_store %arg9[%parallel_loop3A_192, %parallel_loop3A_193], %parallel_loop3A_190 {strides = array<i32>} : memref<8x1280xf32, #tpu.memory_space<vmem>>, vector<16xf32>,
        %parallel_loop3A_195 = tpu.vector_load_idx %arg6[%broadcast_in_dim3A_40, %parallel_loop3A_159] : memref<8x10000xf32, #tpu.memory_space<vmem>>[vector<16xi32>, vector<16xi32>], vector<16xf32>,
        %parallel_loop3A_196 = arith.constant 7 : i32
        %parallel_loop3A_197 = arith.index_cast %parallel_loop3A_196 : i32 to index
        %parallel_loop3A_198 = arith.index_cast %parallel_loop3A_157 : i32 to index
        %parallel_loop3A_199 = tpu.vector_load %arg9[%parallel_loop3A_197, %parallel_loop3A_198] {strides = array<i32>} : memref<8x1280xf32, #tpu.memory_space<vmem>>, vector<16xf32>,
        tpu.vector_store %arg9[%parallel_loop3A_197, %parallel_loop3A_198], %parallel_loop3A_195 {strides = array<i32>} : memref<8x1280xf32, #tpu.memory_space<vmem>>, vector<16xf32>,
      } {sc.loop_unroll_factor = 4 : i64, sc.parallel_access}
      %mul3A_129 = arith.constant 1280 : i32
      %mul3A_130 = arith.muli %mul3A_108, %mul3A_129 : i32
      %dma_start3A_131 = tpu.memref_slice %arg5[%add3A_23, %mul3A_130] : memref<272x320000xf32, #tpu.memory_space<hbm>> -> memref<8x1280xf32, #tpu.memory_space<hbm>>
      %dma_start3A_132 = tpu.memref_slice %arg5[%add3A_23, %mul3A_130] : memref<272x320000xf32, #tpu.memory_space<hbm>> -> memref<8x1280xf32, #tpu.memory_space<hbm>>
      tpu.enqueue_dma source(%arg9 : memref<8x1280xf32, #tpu.memory_space<vmem>>) target(%dma_start3A_132 : memref<8x1280xf32, #tpu.memory_space<hbm>>) target_semaphore(%arg17 : memref<!tpu.dma_semaphore, #tpu.memory_space<semaphore_mem>>)
      %add3A_133 = arith.constant 1 : i32
      %add3A_134 = arith.addi %add3A_112, %add3A_133 : i32
      %lt3A_135 = arith.constant 250 : i32
      %lt3A_136 = arith.cmpi slt, %add3A_134, %lt3A_135 : i32
      %convert_element_type3A_137 = arith.extui %lt3A_136 : i1 to i32
      %cond3A_138 = arith.constant 0 : i32
      %cond3A_139 = arith.cmpi ne, %convert_element_type3A_137, %cond3A_138 : i32
      scf.if %cond3A_139 {
        %add3A_157 = arith.constant 1 : i32
        %add3A_158 = arith.addi %add3A_112, %add3A_157 : i32
        %mul3A_159 = arith.constant 1280 : i32
        %mul3A_160 = arith.muli %add3A_158, %mul3A_159 : i32
        %add3A_161 = arith.addi %mul3A_25, %mul3A_160 : i32
        %dma_start3A_162 = tpu.memref_slice %arg4[%add3A_161] : memref<640000xi32, #tpu.memory_space<hbm>> -> memref<1280xi32, #tpu.memory_space<hbm>>
        %dma_start3A_163 = tpu.memref_slice %arg4[%add3A_161] : memref<640000xi32, #tpu.memory_space<hbm>> -> memref<1280xi32, #tpu.memory_space<hbm>>
        tpu.enqueue_dma source(%dma_start3A_163 : memref<1280xi32, #tpu.memory_space<hbm>>) target(%arg7 : memref<1280xi32, #tpu.memory_space<vmem>>) target_semaphore(%arg15 : memref<!tpu.dma_semaphore, #tpu.memory_space<semaphore_mem>>)
      } else {
      }
      %mul3A_140 = arith.constant 1280 : i32
      %mul3A_141 = arith.muli %add3A_112, %mul3A_140 : i32
      %add3A_142 = arith.addi %mul3A_25, %mul3A_141 : i32
      %dma_wait3A_143 = tpu.memref_slice %arg4[%add3A_142] : memref<640000xi32, #tpu.memory_space<hbm>> -> memref<1280xi32, #tpu.memory_space<hbm>>
      %dma_wait3A_144 = tpu.memref_slice %arg4[%add3A_142] : memref<640000xi32, #tpu.memory_space<hbm>> -> memref<1280xi32, #tpu.memory_space<hbm>>
      tpu.wait_dma2 semaphore(%arg16 : memref<!tpu.dma_semaphore, #tpu.memory_space<semaphore_mem>>) src(%dma_wait3A_144 : memref<1280xi32, #tpu.memory_space<hbm>>) dst(%arg8 : memref<1280xi32, #tpu.memory_space<vmem>>)
      %ge3A_145 = arith.constant 1 : i32
      %ge3A_146 = arith.cmpi sge, %scan3A_106, %ge3A_145 : i32
      %convert_element_type3A_147 = arith.extui %ge3A_146 : i1 to i32
      %cond3A_148 = arith.constant 0 : i32
      %cond3A_149 = arith.cmpi ne, %convert_element_type3A_147, %cond3A_148 : i32
      scf.if %cond3A_149 {
        %sub3A_157 = arith.constant 2 : i32
        %sub3A_158 = arith.subi %add3A_112, %sub3A_157 : i32
        %mul3A_159 = arith.constant 1280 : i32
        %mul3A_160 = arith.muli %sub3A_158, %mul3A_159 : i32
        %dma_wait3A_161 = tpu.memref_slice %arg5[%add3A_23, %mul3A_160] : memref<272x320000xf32, #tpu.memory_space<hbm>> -> memref<8x1280xf32, #tpu.memory_space<hbm>>
        %dma_wait3A_162 = tpu.memref_slice %arg5[%add3A_23, %mul3A_160] : memref<272x320000xf32, #tpu.memory_space<hbm>> -> memref<8x1280xf32, #tpu.memory_space<hbm>>
        tpu.wait_dma2 semaphore(%arg18 : memref<!tpu.dma_semaphore, #tpu.memory_space<semaphore_mem>>) src(%arg10 : memref<8x1280xf32, #tpu.memory_space<vmem>>) dst(%dma_wait3A_162 : memref<8x1280xf32, #tpu.memory_space<hbm>>)
      } else {
      }
      %parallel_loop3A_150 = arith.constant 0 : i32
      %parallel_loop3A_151 = arith.constant 1280 : i32
      %parallel_loop3A_152 = arith.constant 16 : i32
      scf.for %parallel_loop3A_157 = %parallel_loop3A_150 to %parallel_loop3A_151 step %parallel_loop3A_152  : i32 {
        %parallel_loop3A_158 = arith.index_cast %parallel_loop3A_157 : i32 to index
        %parallel_loop3A_159 = tpu.vector_load %arg8[%parallel_loop3A_158] {strides = array<i32>} : memref<1280xi32, #tpu.memory_space<vmem>>, vector<16xi32>,
        %parallel_loop3A_160 = tpu.vector_load_idx %arg6[%broadcast_in_dim3A_26, %parallel_loop3A_159] : memref<8x10000xf32, #tpu.memory_space<vmem>>[vector<16xi32>, vector<16xi32>], vector<16xf32>,
        %parallel_loop3A_161 = arith.constant 0 : i32
        %parallel_loop3A_162 = arith.index_cast %parallel_loop3A_161 : i32 to index
        %parallel_loop3A_163 = arith.index_cast %parallel_loop3A_157 : i32 to index
        %parallel_loop3A_164 = tpu.vector_load %arg10[%parallel_loop3A_162, %parallel_loop3A_163] {strides = array<i32>} : memref<8x1280xf32, #tpu.memory_space<vmem>>, vector<16xf32>,
        tpu.vector_store %arg10[%parallel_loop3A_162, %parallel_loop3A_163], %parallel_loop3A_160 {strides = array<i32>} : memref<8x1280xf32, #tpu.memory_space<vmem>>, vector<16xf32>,
        %parallel_loop3A_165 = tpu.vector_load_idx %arg6[%broadcast_in_dim3A_28, %parallel_loop3A_159] : memref<8x10000xf32, #tpu.memory_space<vmem>>[vector<16xi32>, vector<16xi32>], vector<16xf32>,
        %parallel_loop3A_166 = arith.constant 1 : i32
        %parallel_loop3A_167 = arith.index_cast %parallel_loop3A_166 : i32 to index
        %parallel_loop3A_168 = arith.index_cast %parallel_loop3A_157 : i32 to index
        %parallel_loop3A_169 = tpu.vector_load %arg10[%parallel_loop3A_167, %parallel_loop3A_168] {strides = array<i32>} : memref<8x1280xf32, #tpu.memory_space<vmem>>, vector<16xf32>,
        tpu.vector_store %arg10[%parallel_loop3A_167, %parallel_loop3A_168], %parallel_loop3A_165 {strides = array<i32>} : memref<8x1280xf32, #tpu.memory_space<vmem>>, vector<16xf32>,
        %parallel_loop3A_170 = tpu.vector_load_idx %arg6[%broadcast_in_dim3A_30, %parallel_loop3A_159] : memref<8x10000xf32, #tpu.memory_space<vmem>>[vector<16xi32>, vector<16xi32>], vector<16xf32>,
        %parallel_loop3A_171 = arith.constant 2 : i32
        %parallel_loop3A_172 = arith.index_cast %parallel_loop3A_171 : i32 to index
        %parallel_loop3A_173 = arith.index_cast %parallel_loop3A_157 : i32 to index
        %parallel_loop3A_174 = tpu.vector_load %arg10[%parallel_loop3A_172, %parallel_loop3A_173] {strides = array<i32>} : memref<8x1280xf32, #tpu.memory_space<vmem>>, vector<16xf32>,
        tpu.vector_store %arg10[%parallel_loop3A_172, %parallel_loop3A_173], %parallel_loop3A_170 {strides = array<i32>} : memref<8x1280xf32, #tpu.memory_space<vmem>>, vector<16xf32>,
        %parallel_loop3A_175 = tpu.vector_load_idx %arg6[%broadcast_in_dim3A_32, %parallel_loop3A_159] : memref<8x10000xf32, #tpu.memory_space<vmem>>[vector<16xi32>, vector<16xi32>], vector<16xf32>,
        %parallel_loop3A_176 = arith.constant 3 : i32
        %parallel_loop3A_177 = arith.index_cast %parallel_loop3A_176 : i32 to index
        %parallel_loop3A_178 = arith.index_cast %parallel_loop3A_157 : i32 to index
        %parallel_loop3A_179 = tpu.vector_load %arg10[%parallel_loop3A_177, %parallel_loop3A_178] {strides = array<i32>} : memref<8x1280xf32, #tpu.memory_space<vmem>>, vector<16xf32>,
        tpu.vector_store %arg10[%parallel_loop3A_177, %parallel_loop3A_178], %parallel_loop3A_175 {strides = array<i32>} : memref<8x1280xf32, #tpu.memory_space<vmem>>, vector<16xf32>,
        %parallel_loop3A_180 = tpu.vector_load_idx %arg6[%broadcast_in_dim3A_34, %parallel_loop3A_159] : memref<8x10000xf32, #tpu.memory_space<vmem>>[vector<16xi32>, vector<16xi32>], vector<16xf32>,
        %parallel_loop3A_181 = arith.constant 4 : i32
        %parallel_loop3A_182 = arith.index_cast %parallel_loop3A_181 : i32 to index
        %parallel_loop3A_183 = arith.index_cast %parallel_loop3A_157 : i32 to index
        %parallel_loop3A_184 = tpu.vector_load %arg10[%parallel_loop3A_182, %parallel_loop3A_183] {strides = array<i32>} : memref<8x1280xf32, #tpu.memory_space<vmem>>, vector<16xf32>,
        tpu.vector_store %arg10[%parallel_loop3A_182, %parallel_loop3A_183], %parallel_loop3A_180 {strides = array<i32>} : memref<8x1280xf32, #tpu.memory_space<vmem>>, vector<16xf32>,
        %parallel_loop3A_185 = tpu.vector_load_idx %arg6[%broadcast_in_dim3A_36, %parallel_loop3A_159] : memref<8x10000xf32, #tpu.memory_space<vmem>>[vector<16xi32>, vector<16xi32>], vector<16xf32>,
        %parallel_loop3A_186 = arith.constant 5 : i32
        %parallel_loop3A_187 = arith.index_cast %parallel_loop3A_186 : i32 to index
        %parallel_loop3A_188 = arith.index_cast %parallel_loop3A_157 : i32 to index
        %parallel_loop3A_189 = tpu.vector_load %arg10[%parallel_loop3A_187, %parallel_loop3A_188] {strides = array<i32>} : memref<8x1280xf32, #tpu.memory_space<vmem>>, vector<16xf32>,
        tpu.vector_store %arg10[%parallel_loop3A_187, %parallel_loop3A_188], %parallel_loop3A_185 {strides = array<i32>} : memref<8x1280xf32, #tpu.memory_space<vmem>>, vector<16xf32>,
        %parallel_loop3A_190 = tpu.vector_load_idx %arg6[%broadcast_in_dim3A_38, %parallel_loop3A_159] : memref<8x10000xf32, #tpu.memory_space<vmem>>[vector<16xi32>, vector<16xi32>], vector<16xf32>,
        %parallel_loop3A_191 = arith.constant 6 : i32
        %parallel_loop3A_192 = arith.index_cast %parallel_loop3A_191 : i32 to index
        %parallel_loop3A_193 = arith.index_cast %parallel_loop3A_157 : i32 to index
        %parallel_loop3A_194 = tpu.vector_load %arg10[%parallel_loop3A_192, %parallel_loop3A_193] {strides = array<i32>} : memref<8x1280xf32, #tpu.memory_space<vmem>>, vector<16xf32>,
        tpu.vector_store %arg10[%parallel_loop3A_192, %parallel_loop3A_193], %parallel_loop3A_190 {strides = array<i32>} : memref<8x1280xf32, #tpu.memory_space<vmem>>, vector<16xf32>,
        %parallel_loop3A_195 = tpu.vector_load_idx %arg6[%broadcast_in_dim3A_40, %parallel_loop3A_159] : memref<8x10000xf32, #tpu.memory_space<vmem>>[vector<16xi32>, vector<16xi32>], vector<16xf32>,
        %parallel_loop3A_196 = arith.constant 7 : i32
        %parallel_loop3A_197 = arith.index_cast %parallel_loop3A_196 : i32 to index
        %parallel_loop3A_198 = arith.index_cast %parallel_loop3A_157 : i32 to index
        %parallel_loop3A_199 = tpu.vector_load %arg10[%parallel_loop3A_197, %parallel_loop3A_198] {strides = array<i32>} : memref<8x1280xf32, #tpu.memory_space<vmem>>, vector<16xf32>,
        tpu.vector_store %arg10[%parallel_loop3A_197, %parallel_loop3A_198], %parallel_loop3A_195 {strides = array<i32>} : memref<8x1280xf32, #tpu.memory_space<vmem>>, vector<16xf32>,
      } {sc.loop_unroll_factor = 4 : i64, sc.parallel_access}
      %mul3A_153 = arith.constant 1280 : i32
      %mul3A_154 = arith.muli %add3A_112, %mul3A_153 : i32
      %dma_start3A_155 = tpu.memref_slice %arg5[%add3A_23, %mul3A_154] : memref<272x320000xf32, #tpu.memory_space<hbm>> -> memref<8x1280xf32, #tpu.memory_space<hbm>>
      %dma_start3A_156 = tpu.memref_slice %arg5[%add3A_23, %mul3A_154] : memref<272x320000xf32, #tpu.memory_space<hbm>> -> memref<8x1280xf32, #tpu.memory_space<hbm>>
      tpu.enqueue_dma source(%arg10 : memref<8x1280xf32, #tpu.memory_space<vmem>>) target(%dma_start3A_156 : memref<8x1280xf32, #tpu.memory_space<hbm>>) target_semaphore(%arg18 : memref<!tpu.dma_semaphore, #tpu.memory_space<semaphore_mem>>)
    }
    %scan3A_48 = arith.constant 125 : i32
    %dma_wait3A = arith.constant 317440 : i32
    %dma_wait3A_49 = tpu.memref_slice %arg5[%add3A_23, %dma_wait3A] : memref<272x320000xf32, #tpu.memory_space<hbm>> -> memref<8x1280xf32, #tpu.memory_space<hbm>>
    %dma_wait3A_50 = arith.constant 317440 : i32
    %dma_wait3A_51 = tpu.memref_slice %arg5[%add3A_23, %dma_wait3A_50] : memref<272x320000xf32, #tpu.memory_space<hbm>> -> memref<8x1280xf32, #tpu.memory_space<hbm>>
    tpu.wait_dma2 semaphore(%arg17 : memref<!tpu.dma_semaphore, #tpu.memory_space<semaphore_mem>>) src(%arg9 : memref<8x1280xf32, #tpu.memory_space<vmem>>) dst(%dma_wait3A_51 : memref<8x1280xf32, #tpu.memory_space<hbm>>)
    %dma_wait3A_52 = arith.constant 318720 : i32
    %dma_wait3A_53 = tpu.memref_slice %arg5[%add3A_23, %dma_wait3A_52] : memref<272x320000xf32, #tpu.memory_space<hbm>> -> memref<8x1280xf32, #tpu.memory_space<hbm>>
    %dma_wait3A_54 = arith.constant 318720 : i32
    %dma_wait3A_55 = tpu.memref_slice %arg5[%add3A_23, %dma_wait3A_54] : memref<272x320000xf32, #tpu.memory_space<hbm>> -> memref<8x1280xf32, #tpu.memory_space<hbm>>
    tpu.wait_dma2 semaphore(%arg18 : memref<!tpu.dma_semaphore, #tpu.memory_space<semaphore_mem>>) src(%arg10 : memref<8x1280xf32, #tpu.memory_space<vmem>>) dst(%dma_wait3A_55 : memref<8x1280xf32, #tpu.memory_space<hbm>>)
    %rem3A_56 = arith.constant 2 : i32
    %rem3A_57 = arith.remsi %add3A, %rem3A_56 : i32
    %mul3A_58 = arith.constant 8 : i32
    %mul3A_59 = arith.muli %rem3A_57, %mul3A_58 : i32
    %jit3A_60 = arith.constant 2 : i32
    %div3A_61 = arith.divsi %add3A, %jit3A_60 : i32
    %sign3A_62 = arith.constant 0 : i32
    %sign3A_63 = arith.cmpi sgt, %add3A, %sign3A_62 : i32
    %sign3A_64 = arith.extui %sign3A_63 : i1 to i32
    %sign3A_65 = arith.constant 0 : i32
    %sign3A_66 = arith.cmpi slt, %add3A, %sign3A_65 : i32
    %sign3A_67 = arith.extui %sign3A_66 : i1 to i32
    %sign3A_68 = arith.subi %sign3A_64, %sign3A_67 : i32
    %sign3A_69 = arith.constant 0 : i32
    %sign3A_70 = arith.cmpi sgt, %jit3A_60, %sign3A_69 : i32
    %sign3A_71 = arith.extui %sign3A_70 : i1 to i32
    %sign3A_72 = arith.constant 0 : i32
    %sign3A_73 = arith.cmpi slt, %jit3A_60, %sign3A_72 : i32
    %sign3A_74 = arith.extui %sign3A_73 : i1 to i32
    %sign3A_75 = arith.subi %sign3A_71, %sign3A_74 : i32
    %ne3A_76 = arith.cmpi ne, %sign3A_68, %sign3A_75 : i32
    %rem3A_77 = arith.remsi %add3A, %jit3A_60 : i32
    %ne3A_78 = arith.constant 0 : i32
    %ne3A_79 = arith.cmpi ne, %rem3A_77, %ne3A_78 : i32
    %and3A_80 = arith.andi %ne3A_76, %ne3A_79 : i1
    %sub3A_81 = arith.constant 1 : i32
    %sub3A_82 = arith.subi %div3A_61, %sub3A_81 : i32
    %select_n3A_83 = arith.select %and3A_80, %sub3A_82, %div3A_61 : i32
    %add3A_84 = arith.constant 0 : i32
    %add3A_85 = arith.addi %select_n3A_83, %add3A_84 : i32
    %mul3A_86 = arith.constant 640 : i32
    %mul3A_87 = arith.muli %add3A_85, %mul3A_86 : i32
    %dma_start3A_88 = tpu.memref_slice %arg3[%mul3A_59, %mul3A_87] : memref<16x320000xf32, #tpu.memory_space<hbm>> -> memref<8x640xf32, #tpu.memory_space<hbm>>
    %dma_start3A_89 = tpu.memref_slice %arg3[%mul3A_59, %mul3A_87] : memref<16x320000xf32, #tpu.memory_space<hbm>> -> memref<8x640xf32, #tpu.memory_space<hbm>>
    tpu.enqueue_dma source(%dma_start3A_89 : memref<8x640xf32, #tpu.memory_space<hbm>>) target(%arg11 : memref<8x640xf32, #tpu.memory_space<vmem>>) target_semaphore(%arg15 : memref<!tpu.dma_semaphore, #tpu.memory_space<semaphore_mem>>)
    %add3A_90 = arith.constant 16 : i32
    %add3A_91 = arith.addi %select_n3A_83, %add3A_90 : i32
    %mul3A_92 = arith.constant 640 : i32
    %mul3A_93 = arith.muli %add3A_91, %mul3A_92 : i32
    %dma_start3A_94 = tpu.memref_slice %arg3[%mul3A_59, %mul3A_93] : memref<16x320000xf32, #tpu.memory_space<hbm>> -> memref<8x640xf32, #tpu.memory_space<hbm>>
    %dma_start3A_95 = tpu.memref_slice %arg3[%mul3A_59, %mul3A_93] : memref<16x320000xf32, #tpu.memory_space<hbm>> -> memref<8x640xf32, #tpu.memory_space<hbm>>
    tpu.enqueue_dma source(%dma_start3A_95 : memref<8x640xf32, #tpu.memory_space<hbm>>) target(%arg12 : memref<8x640xf32, #tpu.memory_space<vmem>>) target_semaphore(%arg16 : memref<!tpu.dma_semaphore, #tpu.memory_space<semaphore_mem>>)
    %scan3A_96 = arith.constant 0 : i32
    %scan3A_97 = arith.constant 0 : i32
    %scan3A_98 = arith.constant 8 : i32
    %scan3A_99 = arith.addi %scan3A_97, %scan3A_98 : i32
    %scan3A_100 = arith.constant 1 : i32
    scf.for %scan3A_106 = %scan3A_97 to %scan3A_99 step %scan3A_100  : i32 {
      %mul3A_107 = arith.constant 4 : i32
      %mul3A_108 = arith.muli %mul3A_107, %scan3A_106 : i32
      %add3A_109 = arith.constant 0 : i32
      %add3A_110 = arith.addi %mul3A_108, %add3A_109 : i32
      %mul3A_111 = arith.constant 16 : i32
      %mul3A_112 = arith.muli %mul3A_111, %add3A_110 : i32
      %add3A_113 = arith.addi %select_n3A_83, %mul3A_112 : i32
      %lt3A_114 = arith.constant 500 : i32
      %lt3A_115 = arith.cmpi slt, %add3A_113, %lt3A_114 : i32
      %convert_element_type3A_116 = arith.extui %lt3A_115 : i1 to i32
      %cond3A_117 = arith.constant 0 : i32
      %cond3A_118 = arith.cmpi ne, %convert_element_type3A_116, %cond3A_117 : i32
      scf.if %cond3A_118 {
        %mul3A_246 = arith.constant 16 : i32
        %mul3A_247 = arith.muli %mul3A_246, %add3A_110 : i32
        %add3A_248 = arith.addi %select_n3A_83, %mul3A_247 : i32
        %mul3A_249 = arith.constant 640 : i32
        %mul3A_250 = arith.muli %add3A_248, %mul3A_249 : i32
        %dma_wait3A_251 = tpu.memref_slice %arg3[%mul3A_59, %mul3A_250] : memref<16x320000xf32, #tpu.memory_space<hbm>> -> memref<8x640xf32, #tpu.memory_space<hbm>>
        %dma_wait3A_252 = tpu.memref_slice %arg3[%mul3A_59, %mul3A_250] : memref<16x320000xf32, #tpu.memory_space<hbm>> -> memref<8x640xf32, #tpu.memory_space<hbm>>
        tpu.wait_dma2 semaphore(%arg15 : memref<!tpu.dma_semaphore, #tpu.memory_space<semaphore_mem>>) src(%dma_wait3A_252 : memref<8x640xf32, #tpu.memory_space<hbm>>) dst(%arg11 : memref<8x640xf32, #tpu.memory_space<vmem>>)
        %mul3A_253 = arith.constant 16 : i32
        %mul3A_254 = arith.muli %mul3A_253, %add3A_110 : i32
        %add3A_255 = arith.addi %select_n3A_83, %mul3A_254 : i32
        %mul3A_256 = arith.constant 640 : i32
        %mul3A_257 = arith.muli %add3A_255, %mul3A_256 : i32
        %add3A_258 = arith.constant 256 : i32
        %add3A_259 = arith.addi %add3A_258, %mul3A_59 : i32
        %dma_start3A_260 = tpu.memref_slice %arg5[%add3A_259, %mul3A_257] : memref<272x320000xf32, #tpu.memory_space<hbm>> -> memref<8x640xf32, #tpu.memory_space<hbm>>
        %dma_start3A_261 = tpu.memref_slice %arg5[%add3A_259, %mul3A_257] : memref<272x320000xf32, #tpu.memory_space<hbm>> -> memref<8x640xf32, #tpu.memory_space<hbm>>
        tpu.enqueue_dma source(%arg11 : memref<8x640xf32, #tpu.memory_space<vmem>>) target(%dma_start3A_261 : memref<8x640xf32, #tpu.memory_space<hbm>>) target_semaphore(%arg17 : memref<!tpu.dma_semaphore, #tpu.memory_space<semaphore_mem>>)
      } else {
      }
      %ge3A = arith.constant 2 : i32
      %ge3A_119 = arith.cmpi sge, %add3A_110, %ge3A : i32
      %sub3A_120 = arith.constant 2 : i32
      %sub3A_121 = arith.subi %add3A_110, %sub3A_120 : i32
      %mul3A_122 = arith.constant 16 : i32
      %mul3A_123 = arith.muli %mul3A_122, %sub3A_121 : i32
      %add3A_124 = arith.addi %select_n3A_83, %mul3A_123 : i32
      %lt3A_125 = arith.constant 500 : i32
      %lt3A_126 = arith.cmpi slt, %add3A_124, %lt3A_125 : i32
      %and3A_127 = arith.andi %ge3A_119, %lt3A_126 : i1
      %convert_element_type3A_128 = arith.extui %and3A_127 : i1 to i32
      %cond3A_129 = arith.constant 0 : i32
      %cond3A_130 = arith.cmpi ne, %convert_element_type3A_128, %cond3A_129 : i32
      scf.if %cond3A_130 {
        %sub3A_246 = arith.constant 2 : i32
        %sub3A_247 = arith.subi %add3A_110, %sub3A_246 : i32
        %mul3A_248 = arith.constant 16 : i32
        %mul3A_249 = arith.muli %mul3A_248, %sub3A_247 : i32
        %add3A_250 = arith.addi %select_n3A_83, %mul3A_249 : i32
        %mul3A_251 = arith.constant 640 : i32
        %mul3A_252 = arith.muli %add3A_250, %mul3A_251 : i32
        %add3A_253 = arith.constant 256 : i32
        %add3A_254 = arith.addi %add3A_253, %mul3A_59 : i32
        %dma_wait3A_255 = tpu.memref_slice %arg5[%add3A_254, %mul3A_252] : memref<272x320000xf32, #tpu.memory_space<hbm>> -> memref<8x640xf32, #tpu.memory_space<hbm>>
        %dma_wait3A_256 = tpu.memref_slice %arg5[%add3A_254, %mul3A_252] : memref<272x320000xf32, #tpu.memory_space<hbm>> -> memref<8x640xf32, #tpu.memory_space<hbm>>
        tpu.wait_dma2 semaphore(%arg17 : memref<!tpu.dma_semaphore, #tpu.memory_space<semaphore_mem>>) src(%arg13 : memref<8x640xf32, #tpu.memory_space<vmem>>) dst(%dma_wait3A_256 : memref<8x640xf32, #tpu.memory_space<hbm>>)
      } else {
      }
      %add3A_131 = arith.constant 2 : i32
      %add3A_132 = arith.addi %add3A_110, %add3A_131 : i32
      %mul3A_133 = arith.constant 16 : i32
      %mul3A_134 = arith.muli %mul3A_133, %add3A_132 : i32
      %add3A_135 = arith.addi %select_n3A_83, %mul3A_134 : i32
      %lt3A_136 = arith.constant 500 : i32
      %lt3A_137 = arith.cmpi slt, %add3A_135, %lt3A_136 : i32
      %convert_element_type3A_138 = arith.extui %lt3A_137 : i1 to i32
      %cond3A_139 = arith.constant 0 : i32
      %cond3A_140 = arith.cmpi ne, %convert_element_type3A_138, %cond3A_139 : i32
      scf.if %cond3A_140 {
        %add3A_246 = arith.constant 2 : i32
        %add3A_247 = arith.addi %add3A_110, %add3A_246 : i32
        %mul3A_248 = arith.constant 16 : i32
        %mul3A_249 = arith.muli %mul3A_248, %add3A_247 : i32
        %add3A_250 = arith.addi %select_n3A_83, %mul3A_249 : i32
        %mul3A_251 = arith.constant 640 : i32
        %mul3A_252 = arith.muli %add3A_250, %mul3A_251 : i32
        %dma_start3A_253 = tpu.memref_slice %arg3[%mul3A_59, %mul3A_252] : memref<16x320000xf32, #tpu.memory_space<hbm>> -> memref<8x640xf32, #tpu.memory_space<hbm>>
        %dma_start3A_254 = tpu.memref_slice %arg3[%mul3A_59, %mul3A_252] : memref<16x320000xf32, #tpu.memory_space<hbm>> -> memref<8x640xf32, #tpu.memory_space<hbm>>
        tpu.enqueue_dma source(%dma_start3A_254 : memref<8x640xf32, #tpu.memory_space<hbm>>) target(%arg13 : memref<8x640xf32, #tpu.memory_space<vmem>>) target_semaphore(%arg15 : memref<!tpu.dma_semaphore, #tpu.memory_space<semaphore_mem>>)
      } else {
      }
      %mul3A_141 = arith.constant 4 : i32
      %mul3A_142 = arith.muli %mul3A_141, %scan3A_106 : i32
      %add3A_143 = arith.constant 1 : i32
      %add3A_144 = arith.addi %mul3A_142, %add3A_143 : i32
      %mul3A_145 = arith.constant 16 : i32
      %mul3A_146 = arith.muli %mul3A_145, %add3A_144 : i32
      %add3A_147 = arith.addi %select_n3A_83, %mul3A_146 : i32
      %lt3A_148 = arith.constant 500 : i32
      %lt3A_149 = arith.cmpi slt, %add3A_147, %lt3A_148 : i32
      %convert_element_type3A_150 = arith.extui %lt3A_149 : i1 to i32
      %cond3A_151 = arith.constant 0 : i32
      %cond3A_152 = arith.cmpi ne, %convert_element_type3A_150, %cond3A_151 : i32
      scf.if %cond3A_152 {
        %mul3A_246 = arith.constant 16 : i32
        %mul3A_247 = arith.muli %mul3A_246, %add3A_144 : i32
        %add3A_248 = arith.addi %select_n3A_83, %mul3A_247 : i32
        %mul3A_249 = arith.constant 640 : i32
        %mul3A_250 = arith.muli %add3A_248, %mul3A_249 : i32
        %dma_wait3A_251 = tpu.memref_slice %arg3[%mul3A_59, %mul3A_250] : memref<16x320000xf32, #tpu.memory_space<hbm>> -> memref<8x640xf32, #tpu.memory_space<hbm>>
        %dma_wait3A_252 = tpu.memref_slice %arg3[%mul3A_59, %mul3A_250] : memref<16x320000xf32, #tpu.memory_space<hbm>> -> memref<8x640xf32, #tpu.memory_space<hbm>>
        tpu.wait_dma2 semaphore(%arg16 : memref<!tpu.dma_semaphore, #tpu.memory_space<semaphore_mem>>) src(%dma_wait3A_252 : memref<8x640xf32, #tpu.memory_space<hbm>>) dst(%arg12 : memref<8x640xf32, #tpu.memory_space<vmem>>)
        %mul3A_253 = arith.constant 16 : i32
        %mul3A_254 = arith.muli %mul3A_253, %add3A_144 : i32
        %add3A_255 = arith.addi %select_n3A_83, %mul3A_254 : i32
        %mul3A_256 = arith.constant 640 : i32
        %mul3A_257 = arith.muli %add3A_255, %mul3A_256 : i32
        %add3A_258 = arith.constant 256 : i32
        %add3A_259 = arith.addi %add3A_258, %mul3A_59 : i32
        %dma_start3A_260 = tpu.memref_slice %arg5[%add3A_259, %mul3A_257] : memref<272x320000xf32, #tpu.memory_space<hbm>> -> memref<8x640xf32, #tpu.memory_space<hbm>>
        %dma_start3A_261 = tpu.memref_slice %arg5[%add3A_259, %mul3A_257] : memref<272x320000xf32, #tpu.memory_space<hbm>> -> memref<8x640xf32, #tpu.memory_space<hbm>>
        tpu.enqueue_dma source(%arg12 : memref<8x640xf32, #tpu.memory_space<vmem>>) target(%dma_start3A_261 : memref<8x640xf32, #tpu.memory_space<hbm>>) target_semaphore(%arg18 : memref<!tpu.dma_semaphore, #tpu.memory_space<semaphore_mem>>)
      } else {
      }
      %ge3A_153 = arith.constant 2 : i32
      %ge3A_154 = arith.cmpi sge, %add3A_144, %ge3A_153 : i32
      %sub3A_155 = arith.constant 2 : i32
      %sub3A_156 = arith.subi %add3A_144, %sub3A_155 : i32
      %mul3A_157 = arith.constant 16 : i32
      %mul3A_158 = arith.muli %mul3A_157, %sub3A_156 : i32
      %add3A_159 = arith.addi %select_n3A_83, %mul3A_158 : i32
      %lt3A_160 = arith.constant 500 : i32
      %lt3A_161 = arith.cmpi slt, %add3A_159, %lt3A_160 : i32
      %and3A_162 = arith.andi %ge3A_154, %lt3A_161 : i1
      %convert_element_type3A_163 = arith.extui %and3A_162 : i1 to i32
      %cond3A_164 = arith.constant 0 : i32
      %cond3A_165 = arith.cmpi ne, %convert_element_type3A_163, %cond3A_164 : i32
      scf.if %cond3A_165 {
        %sub3A_246 = arith.constant 2 : i32
        %sub3A_247 = arith.subi %add3A_144, %sub3A_246 : i32
        %mul3A_248 = arith.constant 16 : i32
        %mul3A_249 = arith.muli %mul3A_248, %sub3A_247 : i32
        %add3A_250 = arith.addi %select_n3A_83, %mul3A_249 : i32
        %mul3A_251 = arith.constant 640 : i32
        %mul3A_252 = arith.muli %add3A_250, %mul3A_251 : i32
        %add3A_253 = arith.constant 256 : i32
        %add3A_254 = arith.addi %add3A_253, %mul3A_59 : i32
        %dma_wait3A_255 = tpu.memref_slice %arg5[%add3A_254, %mul3A_252] : memref<272x320000xf32, #tpu.memory_space<hbm>> -> memref<8x640xf32, #tpu.memory_space<hbm>>
        %dma_wait3A_256 = tpu.memref_slice %arg5[%add3A_254, %mul3A_252] : memref<272x320000xf32, #tpu.memory_space<hbm>> -> memref<8x640xf32, #tpu.memory_space<hbm>>
        tpu.wait_dma2 semaphore(%arg18 : memref<!tpu.dma_semaphore, #tpu.memory_space<semaphore_mem>>) src(%arg14 : memref<8x640xf32, #tpu.memory_space<vmem>>) dst(%dma_wait3A_256 : memref<8x640xf32, #tpu.memory_space<hbm>>)
      } else {
      }
      %add3A_166 = arith.constant 2 : i32
      %add3A_167 = arith.addi %add3A_144, %add3A_166 : i32
      %mul3A_168 = arith.constant 16 : i32
      %mul3A_169 = arith.muli %mul3A_168, %add3A_167 : i32
      %add3A_170 = arith.addi %select_n3A_83, %mul3A_169 : i32
      %lt3A_171 = arith.constant 500 : i32
      %lt3A_172 = arith.cmpi slt, %add3A_170, %lt3A_171 : i32
      %convert_element_type3A_173 = arith.extui %lt3A_172 : i1 to i32
      %cond3A_174 = arith.constant 0 : i32
      %cond3A_175 = arith.cmpi ne, %convert_element_type3A_173, %cond3A_174 : i32
      scf.if %cond3A_175 {
        %add3A_246 = arith.constant 2 : i32
        %add3A_247 = arith.addi %add3A_144, %add3A_246 : i32
        %mul3A_248 = arith.constant 16 : i32
        %mul3A_249 = arith.muli %mul3A_248, %add3A_247 : i32
        %add3A_250 = arith.addi %select_n3A_83, %mul3A_249 : i32
        %mul3A_251 = arith.constant 640 : i32
        %mul3A_252 = arith.muli %add3A_250, %mul3A_251 : i32
        %dma_start3A_253 = tpu.memref_slice %arg3[%mul3A_59, %mul3A_252] : memref<16x320000xf32, #tpu.memory_space<hbm>> -> memref<8x640xf32, #tpu.memory_space<hbm>>
        %dma_start3A_254 = tpu.memref_slice %arg3[%mul3A_59, %mul3A_252] : memref<16x320000xf32, #tpu.memory_space<hbm>> -> memref<8x640xf32, #tpu.memory_space<hbm>>
        tpu.enqueue_dma source(%dma_start3A_254 : memref<8x640xf32, #tpu.memory_space<hbm>>) target(%arg14 : memref<8x640xf32, #tpu.memory_space<vmem>>) target_semaphore(%arg16 : memref<!tpu.dma_semaphore, #tpu.memory_space<semaphore_mem>>)
      } else {
      }
      %mul3A_176 = arith.constant 4 : i32
      %mul3A_177 = arith.muli %mul3A_176, %scan3A_106 : i32
      %add3A_178 = arith.constant 2 : i32
      %add3A_179 = arith.addi %mul3A_177, %add3A_178 : i32
      %mul3A_180 = arith.constant 16 : i32
      %mul3A_181 = arith.muli %mul3A_180, %add3A_179 : i32
      %add3A_182 = arith.addi %select_n3A_83, %mul3A_181 : i32
      %lt3A_183 = arith.constant 500 : i32
      %lt3A_184 = arith.cmpi slt, %add3A_182, %lt3A_183 : i32
      %convert_element_type3A_185 = arith.extui %lt3A_184 : i1 to i32
      %cond3A_186 = arith.constant 0 : i32
      %cond3A_187 = arith.cmpi ne, %convert_element_type3A_185, %cond3A_186 : i32
      scf.if %cond3A_187 {
        %mul3A_246 = arith.constant 16 : i32
        %mul3A_247 = arith.muli %mul3A_246, %add3A_179 : i32
        %add3A_248 = arith.addi %select_n3A_83, %mul3A_247 : i32
        %mul3A_249 = arith.constant 640 : i32
        %mul3A_250 = arith.muli %add3A_248, %mul3A_249 : i32
        %dma_wait3A_251 = tpu.memref_slice %arg3[%mul3A_59, %mul3A_250] : memref<16x320000xf32, #tpu.memory_space<hbm>> -> memref<8x640xf32, #tpu.memory_space<hbm>>
        %dma_wait3A_252 = tpu.memref_slice %arg3[%mul3A_59, %mul3A_250] : memref<16x320000xf32, #tpu.memory_space<hbm>> -> memref<8x640xf32, #tpu.memory_space<hbm>>
        tpu.wait_dma2 semaphore(%arg15 : memref<!tpu.dma_semaphore, #tpu.memory_space<semaphore_mem>>) src(%dma_wait3A_252 : memref<8x640xf32, #tpu.memory_space<hbm>>) dst(%arg13 : memref<8x640xf32, #tpu.memory_space<vmem>>)
        %mul3A_253 = arith.constant 16 : i32
        %mul3A_254 = arith.muli %mul3A_253, %add3A_179 : i32
        %add3A_255 = arith.addi %select_n3A_83, %mul3A_254 : i32
        %mul3A_256 = arith.constant 640 : i32
        %mul3A_257 = arith.muli %add3A_255, %mul3A_256 : i32
        %add3A_258 = arith.constant 256 : i32
        %add3A_259 = arith.addi %add3A_258, %mul3A_59 : i32
        %dma_start3A_260 = tpu.memref_slice %arg5[%add3A_259, %mul3A_257] : memref<272x320000xf32, #tpu.memory_space<hbm>> -> memref<8x640xf32, #tpu.memory_space<hbm>>
        %dma_start3A_261 = tpu.memref_slice %arg5[%add3A_259, %mul3A_257] : memref<272x320000xf32, #tpu.memory_space<hbm>> -> memref<8x640xf32, #tpu.memory_space<hbm>>
        tpu.enqueue_dma source(%arg13 : memref<8x640xf32, #tpu.memory_space<vmem>>) target(%dma_start3A_261 : memref<8x640xf32, #tpu.memory_space<hbm>>) target_semaphore(%arg17 : memref<!tpu.dma_semaphore, #tpu.memory_space<semaphore_mem>>)
      } else {
      }
      %ge3A_188 = arith.constant 2 : i32
      %ge3A_189 = arith.cmpi sge, %add3A_179, %ge3A_188 : i32
      %sub3A_190 = arith.constant 2 : i32
      %sub3A_191 = arith.subi %add3A_179, %sub3A_190 : i32
      %mul3A_192 = arith.constant 16 : i32
      %mul3A_193 = arith.muli %mul3A_192, %sub3A_191 : i32
      %add3A_194 = arith.addi %select_n3A_83, %mul3A_193 : i32
      %lt3A_195 = arith.constant 500 : i32
      %lt3A_196 = arith.cmpi slt, %add3A_194, %lt3A_195 : i32
      %and3A_197 = arith.andi %ge3A_189, %lt3A_196 : i1
      %convert_element_type3A_198 = arith.extui %and3A_197 : i1 to i32
      %cond3A_199 = arith.constant 0 : i32
      %cond3A_200 = arith.cmpi ne, %convert_element_type3A_198, %cond3A_199 : i32
      scf.if %cond3A_200 {
        %sub3A_246 = arith.constant 2 : i32
        %sub3A_247 = arith.subi %add3A_179, %sub3A_246 : i32
        %mul3A_248 = arith.constant 16 : i32
        %mul3A_249 = arith.muli %mul3A_248, %sub3A_247 : i32
        %add3A_250 = arith.addi %select_n3A_83, %mul3A_249 : i32
        %mul3A_251 = arith.constant 640 : i32
        %mul3A_252 = arith.muli %add3A_250, %mul3A_251 : i32
        %add3A_253 = arith.constant 256 : i32
        %add3A_254 = arith.addi %add3A_253, %mul3A_59 : i32
        %dma_wait3A_255 = tpu.memref_slice %arg5[%add3A_254, %mul3A_252] : memref<272x320000xf32, #tpu.memory_space<hbm>> -> memref<8x640xf32, #tpu.memory_space<hbm>>
        %dma_wait3A_256 = tpu.memref_slice %arg5[%add3A_254, %mul3A_252] : memref<272x320000xf32, #tpu.memory_space<hbm>> -> memref<8x640xf32, #tpu.memory_space<hbm>>
        tpu.wait_dma2 semaphore(%arg17 : memref<!tpu.dma_semaphore, #tpu.memory_space<semaphore_mem>>) src(%arg11 : memref<8x640xf32, #tpu.memory_space<vmem>>) dst(%dma_wait3A_256 : memref<8x640xf32, #tpu.memory_space<hbm>>)
      } else {
      }
      %add3A_201 = arith.constant 2 : i32
      %add3A_202 = arith.addi %add3A_179, %add3A_201 : i32
      %mul3A_203 = arith.constant 16 : i32
      %mul3A_204 = arith.muli %mul3A_203, %add3A_202 : i32
      %add3A_205 = arith.addi %select_n3A_83, %mul3A_204 : i32
      %lt3A_206 = arith.constant 500 : i32
      %lt3A_207 = arith.cmpi slt, %add3A_205, %lt3A_206 : i32
      %convert_element_type3A_208 = arith.extui %lt3A_207 : i1 to i32
      %cond3A_209 = arith.constant 0 : i32
      %cond3A_210 = arith.cmpi ne, %convert_element_type3A_208, %cond3A_209 : i32
      scf.if %cond3A_210 {
        %add3A_246 = arith.constant 2 : i32
        %add3A_247 = arith.addi %add3A_179, %add3A_246 : i32
        %mul3A_248 = arith.constant 16 : i32
        %mul3A_249 = arith.muli %mul3A_248, %add3A_247 : i32
        %add3A_250 = arith.addi %select_n3A_83, %mul3A_249 : i32
        %mul3A_251 = arith.constant 640 : i32
        %mul3A_252 = arith.muli %add3A_250, %mul3A_251 : i32
        %dma_start3A_253 = tpu.memref_slice %arg3[%mul3A_59, %mul3A_252] : memref<16x320000xf32, #tpu.memory_space<hbm>> -> memref<8x640xf32, #tpu.memory_space<hbm>>
        %dma_start3A_254 = tpu.memref_slice %arg3[%mul3A_59, %mul3A_252] : memref<16x320000xf32, #tpu.memory_space<hbm>> -> memref<8x640xf32, #tpu.memory_space<hbm>>
        tpu.enqueue_dma source(%dma_start3A_254 : memref<8x640xf32, #tpu.memory_space<hbm>>) target(%arg11 : memref<8x640xf32, #tpu.memory_space<vmem>>) target_semaphore(%arg15 : memref<!tpu.dma_semaphore, #tpu.memory_space<semaphore_mem>>)
      } else {
      }
      %mul3A_211 = arith.constant 4 : i32
      %mul3A_212 = arith.muli %mul3A_211, %scan3A_106 : i32
      %add3A_213 = arith.constant 3 : i32
      %add3A_214 = arith.addi %mul3A_212, %add3A_213 : i32
      %mul3A_215 = arith.constant 16 : i32
      %mul3A_216 = arith.muli %mul3A_215, %add3A_214 : i32
      %add3A_217 = arith.addi %select_n3A_83, %mul3A_216 : i32
      %lt3A_218 = arith.constant 500 : i32
      %lt3A_219 = arith.cmpi slt, %add3A_217, %lt3A_218 : i32
      %convert_element_type3A_220 = arith.extui %lt3A_219 : i1 to i32
      %cond3A_221 = arith.constant 0 : i32
      %cond3A_222 = arith.cmpi ne, %convert_element_type3A_220, %cond3A_221 : i32
      scf.if %cond3A_222 {
        %mul3A_246 = arith.constant 16 : i32
        %mul3A_247 = arith.muli %mul3A_246, %add3A_214 : i32
        %add3A_248 = arith.addi %select_n3A_83, %mul3A_247 : i32
        %mul3A_249 = arith.constant 640 : i32
        %mul3A_250 = arith.muli %add3A_248, %mul3A_249 : i32
        %dma_wait3A_251 = tpu.memref_slice %arg3[%mul3A_59, %mul3A_250] : memref<16x320000xf32, #tpu.memory_space<hbm>> -> memref<8x640xf32, #tpu.memory_space<hbm>>
        %dma_wait3A_252 = tpu.memref_slice %arg3[%mul3A_59, %mul3A_250] : memref<16x320000xf32, #tpu.memory_space<hbm>> -> memref<8x640xf32, #tpu.memory_space<hbm>>
        tpu.wait_dma2 semaphore(%arg16 : memref<!tpu.dma_semaphore, #tpu.memory_space<semaphore_mem>>) src(%dma_wait3A_252 : memref<8x640xf32, #tpu.memory_space<hbm>>) dst(%arg14 : memref<8x640xf32, #tpu.memory_space<vmem>>)
        %mul3A_253 = arith.constant 16 : i32
        %mul3A_254 = arith.muli %mul3A_253, %add3A_214 : i32
        %add3A_255 = arith.addi %select_n3A_83, %mul3A_254 : i32
        %mul3A_256 = arith.constant 640 : i32
        %mul3A_257 = arith.muli %add3A_255, %mul3A_256 : i32
        %add3A_258 = arith.constant 256 : i32
        %add3A_259 = arith.addi %add3A_258, %mul3A_59 : i32
        %dma_start3A_260 = tpu.memref_slice %arg5[%add3A_259, %mul3A_257] : memref<272x320000xf32, #tpu.memory_space<hbm>> -> memref<8x640xf32, #tpu.memory_space<hbm>>
        %dma_start3A_261 = tpu.memref_slice %arg5[%add3A_259, %mul3A_257] : memref<272x320000xf32, #tpu.memory_space<hbm>> -> memref<8x640xf32, #tpu.memory_space<hbm>>
        tpu.enqueue_dma source(%arg14 : memref<8x640xf32, #tpu.memory_space<vmem>>) target(%dma_start3A_261 : memref<8x640xf32, #tpu.memory_space<hbm>>) target_semaphore(%arg18 : memref<!tpu.dma_semaphore, #tpu.memory_space<semaphore_mem>>)
      } else {
      }
      %ge3A_223 = arith.constant 2 : i32
      %ge3A_224 = arith.cmpi sge, %add3A_214, %ge3A_223 : i32
      %sub3A_225 = arith.constant 2 : i32
      %sub3A_226 = arith.subi %add3A_214, %sub3A_225 : i32
      %mul3A_227 = arith.constant 16 : i32
      %mul3A_228 = arith.muli %mul3A_227, %sub3A_226 : i32
      %add3A_229 = arith.addi %select_n3A_83, %mul3A_228 : i32
      %lt3A_230 = arith.constant 500 : i32
      %lt3A_231 = arith.cmpi slt, %add3A_229, %lt3A_230 : i32
      %and3A_232 = arith.andi %ge3A_224, %lt3A_231 : i1
      %convert_element_type3A_233 = arith.extui %and3A_232 : i1 to i32
      %cond3A_234 = arith.constant 0 : i32
      %cond3A_235 = arith.cmpi ne, %convert_element_type3A_233, %cond3A_234 : i32
      scf.if %cond3A_235 {
        %sub3A_246 = arith.constant 2 : i32
        %sub3A_247 = arith.subi %add3A_214, %sub3A_246 : i32
        %mul3A_248 = arith.constant 16 : i32
        %mul3A_249 = arith.muli %mul3A_248, %sub3A_247 : i32
        %add3A_250 = arith.addi %select_n3A_83, %mul3A_249 : i32
        %mul3A_251 = arith.constant 640 : i32
        %mul3A_252 = arith.muli %add3A_250, %mul3A_251 : i32
        %add3A_253 = arith.constant 256 : i32
        %add3A_254 = arith.addi %add3A_253, %mul3A_59 : i32
        %dma_wait3A_255 = tpu.memref_slice %arg5[%add3A_254, %mul3A_252] : memref<272x320000xf32, #tpu.memory_space<hbm>> -> memref<8x640xf32, #tpu.memory_space<hbm>>
        %dma_wait3A_256 = tpu.memref_slice %arg5[%add3A_254, %mul3A_252] : memref<272x320000xf32, #tpu.memory_space<hbm>> -> memref<8x640xf32, #tpu.memory_space<hbm>>
        tpu.wait_dma2 semaphore(%arg18 : memref<!tpu.dma_semaphore, #tpu.memory_space<semaphore_mem>>) src(%arg12 : memref<8x640xf32, #tpu.memory_space<vmem>>) dst(%dma_wait3A_256 : memref<8x640xf32, #tpu.memory_space<hbm>>)
      } else {
      }
      %add3A_236 = arith.constant 2 : i32
      %add3A_237 = arith.addi %add3A_214, %add3A_236 : i32
      %mul3A_238 = arith.constant 16 : i32
      %mul3A_239 = arith.muli %mul3A_238, %add3A_237 : i32
      %add3A_240 = arith.addi %select_n3A_83, %mul3A_239 : i32
      %lt3A_241 = arith.constant 500 : i32
      %lt3A_242 = arith.cmpi slt, %add3A_240, %lt3A_241 : i32
      %convert_element_type3A_243 = arith.extui %lt3A_242 : i1 to i32
      %cond3A_244 = arith.constant 0 : i32
      %cond3A_245 = arith.cmpi ne, %convert_element_type3A_243, %cond3A_244 : i32
      scf.if %cond3A_245 {
        %add3A_246 = arith.constant 2 : i32
        %add3A_247 = arith.addi %add3A_214, %add3A_246 : i32
        %mul3A_248 = arith.constant 16 : i32
        %mul3A_249 = arith.muli %mul3A_248, %add3A_247 : i32
        %add3A_250 = arith.addi %select_n3A_83, %mul3A_249 : i32
        %mul3A_251 = arith.constant 640 : i32
        %mul3A_252 = arith.muli %add3A_250, %mul3A_251 : i32
        %dma_start3A_253 = tpu.memref_slice %arg3[%mul3A_59, %mul3A_252] : memref<16x320000xf32, #tpu.memory_space<hbm>> -> memref<8x640xf32, #tpu.memory_space<hbm>>
        %dma_start3A_254 = tpu.memref_slice %arg3[%mul3A_59, %mul3A_252] : memref<16x320000xf32, #tpu.memory_space<hbm>> -> memref<8x640xf32, #tpu.memory_space<hbm>>
        tpu.enqueue_dma source(%dma_start3A_254 : memref<8x640xf32, #tpu.memory_space<hbm>>) target(%arg12 : memref<8x640xf32, #tpu.memory_space<vmem>>) target_semaphore(%arg16 : memref<!tpu.dma_semaphore, #tpu.memory_space<semaphore_mem>>)
      } else {
      }
    }
    %scan3A_101 = arith.constant 8 : i32
    %add3A_102 = arith.constant 496 : i32
    %add3A_103 = arith.addi %select_n3A_83, %add3A_102 : i32
    %lt3A = arith.constant 500 : i32
    %lt3A_104 = arith.cmpi slt, %add3A_103, %lt3A : i32
    %convert_element_type3A = arith.extui %lt3A_104 : i1 to i32
    %cond3A = arith.constant 0 : i32
    %cond3A_105 = arith.cmpi ne, %convert_element_type3A, %cond3A : i32
    scf.if %cond3A_105 {
      %add3A_106 = arith.constant 496 : i32
      %add3A_107 = arith.addi %select_n3A_83, %add3A_106 : i32
      %mul3A_108 = arith.constant 640 : i32
      %mul3A_109 = arith.muli %add3A_107, %mul3A_108 : i32
      %add3A_110 = arith.constant 256 : i32
      %add3A_111 = arith.addi %add3A_110, %mul3A_59 : i32
      %dma_wait3A_112 = tpu.memref_slice %arg5[%add3A_111, %mul3A_109] : memref<272x320000xf32, #tpu.memory_space<hbm>> -> memref<8x640xf32, #tpu.memory_space<hbm>>
      %dma_wait3A_113 = tpu.memref_slice %arg5[%add3A_111, %mul3A_109] : memref<272x320000xf32, #tpu.memory_space<hbm>> -> memref<8x640xf32, #tpu.memory_space<hbm>>
      tpu.wait_dma2 semaphore(%arg18 : memref<!tpu.dma_semaphore, #tpu.memory_space<semaphore_mem>>) src(%arg14 : memref<8x640xf32, #tpu.memory_space<vmem>>) dst(%dma_wait3A_113 : memref<8x640xf32, #tpu.memory_space<hbm>>)
    } else {
    }
    return
  }
}

</mosaic_0001>

<sc_bundles>
// kernel: _join.3.cloned.1.call-start
scs
__scs_entry_jumppad:
0x0: {  	(pc) =	sbr.rel $0x88, $3  }
0x1: {  	(tag) =	ssettag $0x0;
	lr =	simm.s32 $0x1  }
0x2: {  	[smem:$0x3F9D] =	sst lr;
	_ =	strace $0xD0000000  }
0x3: {  	_ = 	snop  }
0x4: {  	_ = 	snop  }
0x5: {  	_ = 	snop  }
0x6: {  	_ = 	snop  }
0x7: {  	_ = 	snop  }
__scs_overlays_trampoline_lowered:
0x8: {  	[smem:$0x3FAC] =	sst s0  }
0x9: {  	[smem:$0x3FAD] =	sst s1  }
0xa: {  	[smem:$0x3FAE] =	sst s2  }
0xb: {  	[smem:$0x3FAF] =	sst s3  }
0xc: {  	[smem:$0x3FB0] =	sst s4  }
0xd: {  	[smem:$0x3FB1] =	sst s5  }
0xe: {  	[smem:$0x3FB2] =	sst s6  }
0xf: {  	[smem:$0x3FB3] =	sst s7  }
0x10: {  	[smem:$0x3FB4] =	sst s8  }
0x11: {  	[smem:$0x3FB5] =	sst s9;
	s0 =	simm.s32 @!p0 $0x0  }
0x12: {  	s1 =	sld [smem:$0x3F9B];
	s0 =	simm.s32 @p0 $0x1  }
0x13: {  	[smem:$0x3FB6] =	sst s0;
	s0 =	simm.s32 @!p1 $0x0  }
0x14: {  	s2 =	sld [smem:$0x3F9A];
	s0 =	simm.s32 @p1 $0x1  }
0x15: {  	[smem:$0x3FB7] =	sst s0;
	s0 =	simm.s32 @!p2 $0x0  }
0x16: {  	s3 =	sld [smem:$0x3FDB];
	s0 =	simm.s32 @p2 $0x1  }
0x17: {  	s4 =	simm.s32 $0x1BF5;
	[smem:$0x3FB9] =	sst s0  }
0x18: {  	s0 =	sld [smem:$0x3F9C];
	_ =	swait.ge [sflag:s4], $0x0  }
0x19: {  	s7 =	sld [smem:$0x3F9D]  }
0x1a: {  	s8 =	sadd.s32 $0xFFFFE003, lr  }
0x1b: {  	s9 =	sadd.s32 $0xFFFFFEF7, lr;
	s5 =	simm.s32 $0xFFFFFFFF;
	p2 =	slt.u32 s8, $0xFFFFF086  }
0x1c: {  	p1 =	slt.u32 s9, $0xF7A;
	s5 =	simm.s32 @!p2 $0x0  }
0x1d: {  	s5 =	simm.s32 @p1 $0x1;
	p0 =	seq.s32 s7, s2  }
0x1e: {  	s7 =	smul.u32 @!p0 $0xF7A, s2;
	p2 =	seq.s32 @!p0 s5, $0x0  }
0x1f: {  	s9 =	smul.u32 $0xF7A, s1;
	s8 =	simm.s32 @!p0 $0x1BF5;
	p2 =	por !p2, p0  }
0x20: {  	[sflag:s8] =	ssyncset.s32 @!p0 $0xFFFFF086;
	s6 =	sadd.s32 @!p0 s3, s7;
	s7 =	simm.s32 @!p0 $0x108  }
0x21: {  	s3 =	sadd.s32 s3, s9;
	s6 =	sadd.s32 @!p0 $0x88, s6;
	s7 =	simm.s32 @p2 $0x1082  }
0x22: {  	[simem:s7], [sflag:s8] =	dma.local @!p0 [hbm:s6], $0xF7A  }
0x23: {  	s9 =	sor.u32 $0xD0000000, s2;
	s6 =	simm.s32 $0x108;
	_ =	swait.ge @!p0 [sflag:s8], $0x0  }
0x24: {  	s3 =	sadd.s32 $0x88, s3;
	s6 =	simm.s32 @!p1 $0x1082;
	[sflag:s4] =	ssyncset.s32 $0xFFFFF086  }
0x25: {  	[simem:s6], [sflag:s4] =	dma.local [hbm:s3], $0xF7A  }
0x26: {  	[smem:$0x3F9D] =	sst s1;
	(tag) =	ssettag s2;
	_ =	strace s9  }
0x27: {  	s1 =	sld [smem:$0x3FAD]  }
0x28: {  	s2 =	sld [smem:$0x3FAE]  }
0x29: {  	s4 =	sld [smem:$0x3FB0]  }
0x2a: {  	p0 =	seq.s32 s5, $0x0;
	s5 =	sld [smem:$0x3FB1]  }
0x2b: {  	s6 =	sld [smem:$0x3FB2]  }
0x2c: {  	s7 =	sld [smem:$0x3FB3]  }
0x2d: {  	s3 =	simm.s32 $0x108;
	s8 =	sld [smem:$0x3FB4]  }
0x2e: {  	s3 =	simm.s32 @!p0 $0x1082;
	s9 =	sld [smem:$0x3FB5]  }
0x2f: {  	lr =	sadd.s32 s0, s3;
	s0 =	sld [smem:$0x3FAC]  }
0x30: {  	s3 =	sld [smem:$0x3FAF]  }
0x31: {  	[smem:$0x3FB8] =	sst s10  }
0x32: {  	s10 =	sld [smem:$0x3FB6];
	_ =	sdelay $0x3  }
0x33: {  	p0 =	seq.s32 s10, $0x1;
	s10 =	sld [smem:$0x3FB8];
	_ =	sdelay $0x3  }
0x34: {  	[smem:$0x3FB8] =	sst s10  }
0x35: {  	s10 =	sld [smem:$0x3FB7];
	_ =	sdelay $0x3  }
0x36: {  	p1 =	seq.s32 s10, $0x1;
	s10 =	sld [smem:$0x3FB8];
	_ =	sdelay $0x3  }
0x37: {  	[smem:$0x3FB8] =	sst s10  }
0x38: {  	s10 =	sld [smem:$0x3FB9]  }
0x39: {  	_ = 	snop;
	(pc) =	sbr.ind lr, $3  }
0x3a: {  	_ = 	snop  }
0x3b: {  	_ = 	snop  }
0x3c: {  	p2 =	seq.s32 s10, $0x1;
	s10 =	sld [smem:$0x3FB8]  }
0x3d: {  	_ =	shalt  }
0x3e: {  	_ =	shalt  }
0x3f: {  	_ =	shalt  }
0x40: {  	_ =	shalt  }
0x41: {  	_ =	shalt  }
0x42: {  	_ =	shalt  }
0x43: {  	_ =	shalt  }
0x44: {  	_ =	shalt  }
0x45: {  	_ =	shalt  }
0x46: {  	_ =	shalt  }
0x47: {  	_ =	shalt  }
0x48: {  	_ =	shalt  }
0x49: {  	_ =	shalt  }
0x4a: {  	_ =	shalt  }
0x4b: {  	_ =	shalt  }
0x4c: {  	_ =	shalt  }
0x4d: {  	_ =	shalt  }
0x4e: {  	_ =	shalt  }
0x4f: {  	_ =	shalt  }
0x50: {  	_ =	shalt  }
0x51: {  	_ =	shalt  }
0x52: {  	_ =	shalt  }
0x53: {  	_ =	shalt  }
0x54: {  	_ =	shalt  }
0x55: {  	_ =	shalt  }
0x56: {  	_ =	shalt  }
0x57: {  	_ =	shalt  }
0x58: {  	_ =	shalt  }
0x59: {  	_ =	shalt  }
0x5a: {  	_ =	shalt  }
0x5b: {  	_ =	shalt  }
0x5c: {  	_ =	shalt  }
0x5d: {  	_ =	shalt  }
0x5e: {  	_ =	shalt  }
0x5f: {  	_ =	shalt  }
0x60: {  	_ =	shalt  }
0x61: {  	_ =	shalt  }
0x62: {  	_ =	shalt  }
0x63: {  	_ =	shalt  }
0x64: {  	_ =	shalt  }
0x65: {  	_ =	shalt  }
0x66: {  	_ =	shalt  }
0x67: {  	_ =	shalt  }
0x68: {  	_ =	shalt  }
0x69: {  	_ =	shalt  }
0x6a: {  	_ =	shalt  }
0x6b: {  	_ =	shalt  }
0x6c: {  	_ =	shalt  }
0x6d: {  	_ =	shalt  }
0x6e: {  	_ =	shalt  }
0x6f: {  	_ =	shalt  }
0x70: {  	_ =	shalt  }
0x71: {  	_ =	shalt  }
0x72: {  	_ =	shalt  }
0x73: {  	_ =	shalt  }
0x74: {  	_ =	shalt  }
0x75: {  	_ =	shalt  }
0x76: {  	_ =	shalt  }
0x77: {  	_ =	shalt  }
0x78: {  	_ =	shalt  }
0x79: {  	_ =	shalt  }
0x7a: {  	_ =	shalt  }
0x7b: {  	_ =	shalt  }
0x7c: {  	_ =	shalt  }
0x7d: {  	_ =	shalt  }
0x7e: {  	_ =	shalt  }
0x7f: {  	_ =	shalt  }
0x80: {  	_ =	shalt  }
0x81: {  	_ =	shalt  }
0x82: {  	_ =	shalt  }
0x83: {  	_ =	shalt  }
0x84: {  	_ =	shalt  }
0x85: {  	_ =	shalt  }
0x86: {  	_ =	shalt  }
0x87: {  	_ =	shalt  }
.Lfunc_end0:
.L_simem_size_0:
called_computation_lowered:
.L_overlay_start_0:
0x88: {  	s2 =	sld [smem:$0x3FD9]  }
0x89: {  	s3 =	sld [smem:$0x3FFE];
	_ =	sdelay $0x1  }
0x8a: {  	s1 =	srdreg.scid  }
0x8b: {  	s0 =	sand.u32 $0x1, s1  }
0x8c: {  	s17 =	sshll.u32 s0, $0xA;
	s2 =	sadd.s32 s3, s2  }
0x8d: {  	s2 =	sadd.s32 s2, s17  }
0x8e: {  	[smem:$0x3FC4] =	sst s2  }
0x8f: {  	_ = 	snop  }
0x90: {  	s2 =	sld [smem:$0x3FC8]  }
0x91: {  	s18 =	sld [smem:$0x3FD0];
	(tm) =	ssettm $0x1  }
0x92: {  	s4 =	sld [smem:$0x3FFB];
	_ =	sdelay $0x3  }
0x93: {  	_ =	strace s4  }
0x94: {  	s4 =	sld [smem:$0x3FFC];
	_ =	sdelay $0x3  }
0x95: {  	_ =	strace s4  }
0x96: {  	s4 =	sld [smem:$0x3FFD];
	_ =	sdelay $0x3  }
0x97: {  	_ =	strace s4  }
0x98: {  	_ =	strace $0x8FFFFFFF  }
0x99: {  	s19 =	sld [smem:$0x3FDB];
	_ =	sdelay $0x1  }
0x9a: {  	s5 =	simm.s32 $_scs_section_size  }
0x9b: {  	s6 =	simm.s32 $_size__tile_overlayer_lowered;
	s7 =	simm.s32 $_tile_overlayer_lowered  }
0x9c: {  	s22 =	simm.s32 $0x1BFF;
	s21 =	sshll.u32 s7, $0x1;
	s4 =	sadd.s32 s5, s19  }
0x9d: {  	s8 =	simm.s32 $0x0;
	s20 =	sshll.u32 s6, $0x1;
	s6 =	sadd.s32 s21, s4  }
0x9e: {  	[timem:s8], [sflag:s22] =	dma.local [hbm:s6], s20  }
0x9f: {  	_ =	swait.ge [sflag:s22], s20  }
0xa0: {  	s5 =	ssub.s32 $0x0, s20;
	[sflag:s22] =	ssyncset.done $0x0  }
0xa1: {  	[sflag:s22] =	ssyncadd.s32 s5;
	_ =	sdelay $0x1  }
0xa2: {  	s23 =	simm.s32 $0x1B8B  }
0xa3: {  	_ =	swait.ge [sflag:s23], $0x1  }
0xa4: {  	[sflag:s23] =	ssyncset.done $0x0  }
0xa5: {  	s25 =	simm.s32 $0x1B8E;
	s24 =	sld [smem:$0x3FFE];
	[sflag:s23] =	ssyncadd.s32 $0xFFFFFFFF  }
0xa6: {  	s26 =	simm.s32 $execute0_lowered;
	[smem:$0x3FD2] =	sst s25  }
0xa7: {  	s6 =	sshll.u32 s26, $0x1;
	_ =	strace $0x80000046;
	[dreg:$0x1] =	wrdreg $0xFFFFFFFF  }
0xa8: {  	s28 =	simm.s32 $_size_execute0_lowered;
	s4 =	sadd.s32 s4, s6;
	[dreg:$0x0] =	wrdreg $0x0  }
0xa9: {  	s6 =	sshll.u32 s28, $0x1;
	[dreg:$0x2] =	wrdreg s4  }
0xaa: {  	[dreg:$0x3] =	wrdreg s6  }
0xab: {  	[dreg:$0x4] =	wrdreg $0xC0  }
0xac: {  	_ =	task [dreg:s8], $0x5FFFF  }
0xad: {  	[dreg:$0x1] =	wrdreg $0xFFFFFFFF  }
0xae: {  	[dreg:$0x0] =	wrdreg $0x60  }
0xaf: {  	[dreg:$0x2] =	wrdreg s24  }
0xb0: {  	[dreg:$0x3] =	wrdreg s2  }
0xb1: {  	[dreg:$0x4] =	wrdreg s18  }
0xb2: {  	[dreg:$0x5] =	wrdreg $0x9  }
0xb3: {  	_ =	task.clear_ibuf [dreg:s8], $0x6FFFF;
	_ =	strace $0x90000046  }
0xb4: {  	s29 =	simm.s32 $0x9;
	_ =	strace $0x80000048  }
0xb5: {  	_ =	swait.ge [sflag:s29], $0x1  }
0xb6: {  	[sflag:s29] =	ssyncadd.s32 $0xFFFFFFFF  }
0xb7: {  	_ =	strace $0x90000048  }
0xb8: {  	_ =	sfence  }
0xb9: {  	s30 =	sld [smem:$0x0];
	_ =	sdelay $0x2  }
0xba: {  	s31 =	sshll.u32 s1, $0xD;
	s1 =	sshrl.u32 s1, $0x2  }
0xbb: {  	s3 =	sand.u32 $0x4000, s31;
	s1 =	sadd.s32 s1, s30  }
0xbc: {  	s0 =	sor.u32 s3, s0;
	s1 =	sshll.u32 s1, $0x11  }
0xbd: {  	s0 =	sor.u32 s1, s0  }
0xbe: {  	s0 =	sadd.s32 $0x8F2B, s0  }
0xbf: {  	[sflag:s0] =	ssyncadd.remote.s32 $0x1  }
0xc0: {  	_ =	sfence.sel $0xFFFF  }
0xc1: {  	[dreg:$0x0] =	wrdreg $0xFFFFFFFF;
	(pc) =	sbr.abs _section_cstart, $3  }
0xc2: {  	[dreg:$0x1] =	wrdreg $0xFFFFFFFF  }
0xc3: {  	_ =	task.clear_ibuf [dreg:s8], $0x2FFFF;
	_ =	strace $0x9FFFFFFF  }
0xc4: {  	(tm) =	ssettm $0x7FFFFFFF  }
0xc5: {  	_ =	shalt  }
tec
execute0_lowered:
.L_overlay_start_1:
0x0: {  	(tag) =	ssettag $0x1  }
0x1: {  	s1 =	rddreg [dreg:$0x0]  }
0x2: {  	s0 =	rddreg [dreg:$0x1];
	s2 =	srdreg.scid  }
0x3: {  	s8 =	stileid.u32;
	s9 =	rddreg [dreg:$0x2];
	s3 =	simm.s32 $0x0  }
0x4: {  	s28 =	simm.s32 $0x3;
	s31 =	simm.s32 $0x1BE00;
	s2 =	sand.u32 $0x1, s2  }
0x5: {  	s4 =	sshll.u32 s8, $0x1;
	[smem:$0x7FF] =	sst s3;
	s7 =	sshrl.u32 s8, $0x3  }
0x6: {  	s23 =	sadd.s32 $0x28000, s1;
	s4 =	sor.u32 s2, s4;
	_ =	strace $0x80000047  }
0x7: {  	p1 =	seq.s32 s2, $0x1;
	s10 =	smul.u32 $0x4E200, s7;
	s21 =	sshll.u32 s7, $0x4  }
0x8: {  	s22 =	ssub.s32 $0x2, s2;
	s2 =	smul.u32 $0x271000, s2;
	[dreg:$0xa] =	wrdreg s23  }
0x9: {  	s5 =	sand.u32 $0xF, s4;
	p0 =	seq.s32 s4, $0x0;
	s24 =	sshrl.u32 s22, $0x1  }
0xa: {  	s6 =	smul.u32 $0x2780, s5;
	p0 =	por !p0, !p1;
	s4 =	sor.u32 s21, s5  }
0xb: {  	s5 =	simm.s32 $0x1;
	s29 =	sshrl.u32 s10, $0x3;
	[dreg:$0x8] =	wrdreg s10  }
0xc: {  	p0 =	por !p0, !p0;
	s11 =	smul.u32 $0x271000, s4;
	s4 =	sadd.s32 s23, s29  }
0xd: {  	s6 =	sadd.s32 s6, s1;
	s5 =	simm.s32 @!p0 $0x0;
	[dreg:$0xc] =	wrdreg s4  }
0xe: {  	s1 =	ssub.s32 s22, s24;
	s26 =	sadd.s32 $0x800, s6;
	[dreg:$0x9] =	wrdreg s11  }
0xf: {  	s5 =	ssub.s32 s8, s5;
	s8 =	sadd.s32 $0xA00, s10;
	[dreg:$0xb] =	wrdreg s26  }
0x10: {  	s30 =	sshrl.u32 s11, $0x3;
	s1 =	smax.u32 s1, $0x1;
	[dreg:$0xd] =	wrdreg s8  }
0x11: {  	s25 =	smul.u32 $0x1400, s5;
	s4 =	sadd.s32 s9, s30;
	[dreg:$0x12] =	wrdreg s1  }
0x12: {  	s11 =	simm.s32 $0x1;
	s14 =	sadd.s32 $0x50, s5;
	[dreg:$0xe] =	wrdreg s4  }
0x13: {  	p0 =	sgt.s32 s5, $0x3;
	[dreg:$0x11] =	wrdreg s14;
	s2 =	sadd.s32 s2, s25  }
0x14: {  	s10 =	sadd.s32 $0x14000, s2;
	s12 =	sshrl.u32 s2, $0x3;
	s13 =	sadd.s32 $0x64000, s2  }
0x15: {  	s15 =	sadd.s32 $0x50000, s2;
	s18 =	sadd.s32 $0x4E5C000, s2;
	s19 =	sadd.s32 $0x3C000, s2  }
0x16: {  	s20 =	sadd.s32 $0x4E34000, s2;
	s24 =	sadd.s32 $0x28000, s2;
	s26 =	sadd.s32 $0x4E20000, s2  }
0x17: {  	s2 =	sadd.s32 $0x4E48000, s2;
	s4 =	sshrl.u32 s10, $0x3;
	s6 =	sadd.s32 s0, s12  }
0x18: {  	s17 =	sshrl.u32 s15, $0x3;
	s1 =	sshrl.u32 s18, $0x3;
	s22 =	sshrl.u32 s20, $0x3  }
0x19: {  	s25 =	sshrl.u32 s24, $0x3;
	s29 =	sshrl.u32 s26, $0x3;
	s2 =	sshrl.u32 s2, $0x3  }
0x1a: {  	s24 =	simm.s32 $0x2;
	[dreg:$0xf] =	wrdreg s6;
	s4 =	sadd.s32 s0, s4  }
0x1b: {  	s17 =	sadd.s32 s17, s0;
	s23 =	sadd.s32 s22, s9;
	[dreg:$0x10] =	wrdreg s4  }
0x1c: {  	s30 =	sadd.s32 s29, s9;
	s4 =	sshrl.u32 s13, $0x3;
	[dreg:$0x6] =	wrdreg s23  }
0x1d: {  	[dreg:$0x4] =	wrdreg s30;
	s16 =	sadd.s32 s4, s0;
	s4 =	sshrl.u32 s19, $0x3  }
0x1e: {  	s18 =	sadd.s32 s1, s9;
	s21 =	sadd.s32 s4, s0;
	[dreg:$0x13] =	wrdreg s16  }
0x1f: {  	s19 =	sadd.s32 s2, s9;
	s0 =	sadd.s32 s25, s0;
	[dreg:$0x7] =	wrdreg s21  }
0x20: {  	s2 =	simm.s32 $0x0;
	s25 =	simm.s32 $0x4;
	[dreg:$0x5] =	wrdreg s0  }
.LBB2_1:
0x21: {  	[dreg:$0x14] =	wrdreg s2  }
0x22: {  	s0 =	rddreg [dreg:$0xb];
	s29 =	simm.s32 $0x5  }
0x23: {  	[tilespmem:s3], [sflag:$0x5] =	stream.linear.gather [hbm4b:s0+s3], $0x13C00, $0x38;
	[tilespmem:$0x1E600] =	vst v63  }
0x24: {  	_ =	swait.ge [sflag:s29], $0x13C00  }
0x25: {  	s1 =	simm.s32 $0x13C00;
	[sflag:s29] =	ssyncset.done $0x0  }
0x26: {  	s2 =	simm.s32 $0x0;
	s30 =	rddreg [dreg:$0xc];
	[sflag:s29] =	ssyncadd.s32 $0xFFFEC400  }
0x27: {  	[tilespmem:s1], [sflag:$0x1] =	stream.linear.gather [hbm4b:s30+s3], $0x500, $0x38;
	[tilespmem:$0x1E600] =	vst v63  }
.LBB2_2:
0x28: {  	s0 =	smul.u32 $0xA00, s2;
	_ =	sdelay $0x1  }
0x29: {  	s30 =	rddreg [dreg:$0x8];
	s1 =	sadd.s32 $0x500, s0  }
0x2a: {  	[dreg:$0x17] =	wrdreg s0;
	s0 =	sadd.s32 s30, s1  }
0x2b: {  	s4 =	rddreg [dreg:$0xa];
	s0 =	sshrl.u32 s0, $0x3  }
0x2c: {  	s5 =	simm.s32 $0x14100;
	[dreg:$0x16] =	wrdreg s1;
	s0 =	sadd.s32 s4, s0  }
0x2d: {  	[tilespmem:s5], [sflag:$0x2] =	stream.linear.gather [hbm4b:s0+s3], $0x500, $0x38;
	[tilespmem:$0x1E600] =	vst v63  }
0x2e: {  	_ =	swait.ge [sflag:s11], $0x500  }
0x2f: {  	p1 =	seq.s32 s2, $0x0;
	s6 =	simm.s32 $0x0;
	[sflag:s11] =	ssyncset.done $0x0  }
0x30: {  	s0 =	simm.s32 @!p1 $0x3;
	[dreg:$0x15] =	wrdreg s2;
	[sflag:s11] =	ssyncadd.s32 $0xFFFFFB00  }
0x31: {  	s7 =	sand.u32 $0x40, s6;
	s1 =	sand.u32 $0x780, s6;
	_ =	swait.ge @!p1 [sflag:s0], $0x2800  }
0x32: {  	s1 =	sadd.s32 $0x13C00, s1;
	s4 =	sor.u32 $0x30, s7;
	[sflag:s0] =	ssyncset.done @!p1 $0x0  }
0x33: {  	s8 =	sor.u32 s4, s1;
	[sflag:s0] =	ssyncadd.s32 @!p1 $0xFFFFD800  }
0x34: {  	s5 =	simm.s32 $0x13C00;
	v0 =	vld [tilespmem:s8+$0x0]  }
0x35: {  	s9 =	sor.u32 $0x10, s7;
	v1 =	vld [tilespmem:s5+$0x0]  }
0x36: {  	s6 =	sor.u32 $0x20, s7;
	s10 =	sor.u32 s9, s1  }
0x37: {  	s1 =	sor.u32 s6, s1;
	v2 =	vld [tilespmem:s10+$0x0]  }
0x38: {  	v3 =	vld [tilespmem:s1+$0x0]  }
0x39: {  	v4 =	vshll.u32 v0, $0x3  }
0x3a: {  	v5 =	vshll.u32 v1, $0x3;
	v0 =	vand.u32 $0x7F, v0;
	v4 =	vand.u32 $0xFFFFFC00, v4  }
0x3b: {  	v1 =	vand.u32 $0x7F, v1;
	v6 =	vand.u32 $0xFFFFFC00, v5;
	v5 =	vor.u32 v0, v4  }
0x3c: {  	v0 =	vor.u32 v1, v6;
	v1 =	vshll.u32 v2, $0x3  }
0x3d: {  	v4 =	vshll.u32 v3, $0x3;
	v2 =	vand.u32 $0x7F, v2;
	v1 =	vand.u32 $0xFFFFFC00, v1  }
0x3e: {  	v6 =	vand.u32 $0xFFFFFC00, v4;
	v4 =	vor.u32 v2, v1;
	v1 =	vand.u32 $0x7F, v3  }
0x3f: {  	v3 =	vor.u32 v1, v6  }
0x40: {  	v1 =	vld.idx.msk [tilespmem:v5+s3+$0x0], $0xffff  }
0x41: {  	s12 =	simm.s32 $0x0;
	v6 =	vor.u32 $0x80, v5;
	v2 =	vld.idx.msk [tilespmem:v0+s3+$0x0], $0xffff  }
0x42: {  	s1 =	sand.u32 $0x3C00, s12;
	v7 =	vor.u32 $0x80, v0  }
0x43: {  	s13 =	sadd.s32 $0x14600, s1;
	v8 =	vld.idx.msk [tilespmem:v4+s3+$0x0], $0xffff  }
0x44: {  	s4 =	sor.u32 s4, s13;
	v9 =	vor.u32 $0x80, v4;
	v10 =	vld.idx.msk [tilespmem:v3+s3+$0x0], $0xffff  }
0x45: {  	s1 =	sor.u32 s7, s13;
	v11 =	vor.u32 $0x80, v3;
	[tilespmem:s4+$0x0] =	vst v1  }
0x46: {  	[tilespmem:s1+$0x0] =	vst v2;
	v1 =	vld.idx.msk [tilespmem:v6+s3+$0x0], $0xffff  }
0x47: {  	s8 =	sor.u32 s9, s13;
	v2 =	vld.idx.msk [tilespmem:v7+s3+$0x0], $0xffff;
	v6 =	vor.u32 $0x100, v5  }
0x48: {  	s6 =	sor.u32 s6, s13;
	v7 =	vor.u32 $0x100, v0;
	[tilespmem:s8+$0x0] =	vst v8  }
0x49: {  	v8 =	vld.idx.msk [tilespmem:v9+s3+$0x0], $0xffff;
	[tilespmem:s6+$0x0] =	vst v10  }
0x4a: {  	v9 =	vor.u32 $0x100, v4;
	v10 =	vld.idx.msk [tilespmem:v11+s3+$0x0], $0xffff  }
0x4b: {  	v11 =	vor.u32 $0x100, v3;
	[tilespmem:s4+$0x80] =	vst v1  }
0x4c: {  	[tilespmem:s1+$0x80] =	vst v2;
	v1 =	vld.idx.msk [tilespmem:v6+s3+$0x0], $0xffff  }
0x4d: {  	v2 =	vld.idx.msk [tilespmem:v7+s3+$0x0], $0xffff;
	v6 =	vor.u32 $0x180, v5  }
0x4e: {  	v7 =	vor.u32 $0x180, v0;
	[tilespmem:s8+$0x80] =	vst v8  }
0x4f: {  	v8 =	vld.idx.msk [tilespmem:v9+s3+$0x0], $0xffff;
	[tilespmem:s6+$0x80] =	vst v10  }
0x50: {  	s14 =	simm.s32 $0x13C40;
	s12 =	simm.s32 $0x40;
	v9 =	vor.u32 $0x180, v4;
	v10 =	vld.idx.msk [tilespmem:v11+s3+$0x0], $0xffff  }
0x51: {  	s0 =	sand.u32 $0x40, s12;
	s15 =	sand.u32 $0x780, s12;
	v11 =	vld [tilespmem:s14+$0x0];
	[tilespmem:s4+$0x100] =	vst v1  }
0x52: {  	s9 =	sadd.s32 $0x13C00, s15;
	s7 =	sor.u32 $0x30, s0;
	[tilespmem:s1+$0x100] =	vst v2;
	v1 =	vld.idx.msk [tilespmem:v6+s3+$0x0], $0xffff  }
0x53: {  	s16 =	sor.u32 s7, s9;
	v2 =	vor.u32 $0x180, v3;
	v6 =	vld.idx.msk [tilespmem:v7+s3+$0x0], $0xffff  }
0x54: {  	s20 =	sor.u32 $0x10, s0;
	v7 =	vor.u32 $0x200, v5;
	[tilespmem:s8+$0x100] =	vst v8;
	v8 =	vld [tilespmem:s16+$0x0]  }
0x55: {  	s21 =	sor.u32 $0x20, s0;
	s10 =	sor.u32 s20, s9;
	v9 =	vld.idx.msk [tilespmem:v9+s3+$0x0], $0xffff  }
0x56: {  	s9 =	sor.u32 s21, s9;
	v13 =	vld [tilespmem:s10+$0x0];
	v12 =	vor.u32 $0x200, v4;
	v14 =	vshll.u32 v11, $0x3  }
0x57: {  	v15 =	vld [tilespmem:s9+$0x0];
	[tilespmem:s6+$0x100] =	vst v10;
	v10 =	vor.u32 $0x200, v0;
	v11 =	vand.u32 $0x7F, v11;
	v14 =	vand.u32 $0xFFFFFC00, v14  }
0x58: {  	p2 =	por $0x0, $0x0;
	v16 =	vld.idx.msk [tilespmem:v2+s3+$0x0], $0xffff;
	[tilespmem:s4+$0x180] =	vst v1;
	v1 =	vor.u32 v11, v14;
	s4 =	simm.s32 $0x1  }
0x59: {  	v11 =	vor.u32 $0x200, v3;
	v7 =	vld.idx.msk [tilespmem:v7+s3+$0x0], $0xffff;
	v2 =	vshll.u32 v8, $0x3;
	s4 =	simm.s32 @!p2 $0x0  }
0x5a: {  	v8 =	vand.u32 $0x7F, v8;
	[tilespmem:s8+$0x180] =	vst v9;
	v2 =	vand.u32 $0xFFFFFC00, v2;
	s4 =	sshll.u32 s4, $0x6;
	v9 =	vor.u32 $0x280, v5  }
0x5b: {  	v14 =	vor.u32 $0x280, v4;
	[tilespmem:s1+$0x180] =	vst v6;
	v6 =	vld.idx.msk [tilespmem:v12+s3+$0x0], $0xffff;
	v12 =	vshll.u32 v13, $0x3;
	v2 =	vor.u32 v8, v2;
	s1 =	sadd.s32 $0x0, s4  }
0x5c: {  	v8 =	vld.idx.msk [tilespmem:v10+s3+$0x0], $0xffff;
	v10 =	vshll.u32 v15, $0x3;
	v13 =	vand.u32 $0x7F, v13;
	v12 =	vand.u32 $0xFFFFFC00, v12;
	s4 =	sadd.s32 $0x30, s1  }
0x5d: {  	v10 =	vand.u32 $0xFFFFFC00, v10;
	[tilespmem:s6+$0x180] =	vst v16;
	v17 =	vld.idx.msk [tilespmem:v1+s3+$0x0], $0xffff;
	v21 =	vor.u32 v13, v12;
	v12 =	vand.u32 $0x7F, v15;
	s22 =	sor.u32 $0x200, s4  }
0x5e: {  	s6 =	sadd.s32 $0x10, s1;
	v11 =	vld.idx.msk [tilespmem:v11+s3+$0x0], $0xffff;
	v10 =	vor.u32 v12, v10;
	[tilespmem:s22+$0x14600] =	vst v7  }
0x5f: {  	s23 =	sor.u32 $0x200, s6;
	v7 =	vor.u32 $0x280, v0;
	v9 =	vld.idx.msk [tilespmem:v9+s3+$0x0], $0xffff  }
0x60: {  	s13 =	simm.s32 $0x200;
	s26 =	sor.u32 $0x200, s1;
	v12 =	vor.u32 $0x280, v3;
	v13 =	vld.idx.msk [tilespmem:v2+s3+$0x0], $0xffff;
	[tilespmem:s23+$0x14600] =	vst v6  }
0x61: {  	s30 =	sand.u32 $0x3C00, s13;
	s8 =	sadd.s32 $0x20, s1;
	[tilespmem:s26+$0x14600] =	vst v8;
	v8 =	vor.u32 $0x80, v1;
	v6 =	vld.idx.msk [tilespmem:v14+s3+$0x0], $0xffff  }
0x62: {  	s9 =	sadd.s32 $0x14600, s30;
	s29 =	sor.u32 $0x200, s8;
	v14 =	vor.u32 $0x300, v5;
	v15 =	vld.idx.msk [tilespmem:v21+s3+$0x0], $0xffff  }
0x63: {  	v16 =	vor.u32 $0x80, v2;
	s23 =	sor.u32 s0, s9;
	[tilespmem:s29+$0x14600] =	vst v11;
	v18 =	vld.idx.msk [tilespmem:v10+s3+$0x0], $0xffff  }
0x64: {  	s14 =	sor.u32 $0x280, s4;
	v19 =	vor.u32 $0x80, v21;
	[tilespmem:s23+$0x0] =	vst v17;
	v22 =	vld.idx.msk [tilespmem:v7+s3+$0x0], $0xffff  }
0x65: {  	s26 =	sor.u32 s7, s9;
	v7 =	vor.u32 $0x80, v10;
	v11 =	vld.idx.msk [tilespmem:v12+s3+$0x0], $0xffff;
	[tilespmem:s14+$0x14600] =	vst v9  }
0x66: {  	s15 =	sor.u32 $0x280, s6;
	v9 =	vor.u32 $0x300, v4;
	[tilespmem:s26+$0x0] =	vst v13;
	v8 =	vld.idx.msk [tilespmem:v8+s3+$0x0], $0xffff  }
0x67: {  	s22 =	sor.u32 s20, s9;
	v13 =	vor.u32 $0x300, v3;
	v12 =	vld.idx.msk [tilespmem:v14+s3+$0x0], $0xffff;
	[tilespmem:s15+$0x14600] =	vst v6  }
0x68: {  	v5 =	vor.u32 $0x380, v5;
	s14 =	sor.u32 s21, s9;
	v16 =	vld.idx.msk [tilespmem:v16+s3+$0x0], $0xffff;
	[tilespmem:s22+$0x0] =	vst v15  }
0x69: {  	s16 =	sor.u32 $0x280, s8;
	v17 =	vor.u32 $0x100, v2;
	v15 =	vld.idx.msk [tilespmem:v19+s3+$0x0], $0xffff;
	[tilespmem:s14+$0x0] =	vst v18  }
0x6a: {  	s21 =	sor.u32 $0x280, s1;
	v18 =	vor.u32 $0x100, v1;
	[tilespmem:s16+$0x14600] =	vst v11;
	v7 =	vld.idx.msk [tilespmem:v7+s3+$0x0], $0xffff  }
0x6b: {  	s20 =	sor.u32 $0x300, s4;
	v6 =	vor.u32 $0x100, v21;
	[tilespmem:s21+$0x14600] =	vst v22;
	v23 =	vld.idx.msk [tilespmem:v9+s3+$0x0], $0xffff  }
0x6c: {  	v20 =	vor.u32 $0x100, v10;
	v14 =	vld.idx.msk [tilespmem:v13+s3+$0x0], $0xffff;
	[tilespmem:s20+$0x14600] =	vst v12  }
0x6d: {  	[tilespmem:s26+$0x80] =	vst v16;
	v16 =	vor.u32 $0x300, v0;
	v24 =	vld.idx.msk [tilespmem:v5+s3+$0x0], $0xffff  }
0x6e: {  	v25 =	vor.u32 $0x380, v4;
	[tilespmem:s23+$0x80] =	vst v8;
	v19 =	vld.idx.msk [tilespmem:v17+s3+$0x0], $0xffff  }
0x6f: {  	v4 =	vor.u32 $0x380, v21;
	v17 =	vld.idx.msk [tilespmem:v18+s3+$0x0], $0xffff;
	[tilespmem:s22+$0x80] =	vst v15  }
0x70: {  	v11 =	vor.u32 $0x200, v21;
	v22 =	vor.u32 $0x180, v2;
	v13 =	vor.u32 $0x180, v21;
	v18 =	vld.idx.msk [tilespmem:v6+s3+$0x0], $0xffff;
	[tilespmem:s14+$0x80] =	vst v7  }
0x71: {  	s2 =	sor.u32 $0x300, s1;
	s29 =	sor.u32 $0x300, s6;
	v8 =	vor.u32 $0x280, v21;
	v6 =	vor.u32 $0x300, v21;
	v21 =	vor.u32 $0x180, v1;
	v20 =	vld.idx.msk [tilespmem:v20+s3+$0x0], $0xffff  }
0x72: {  	s30 =	sor.u32 $0x380, s4;
	s9 =	sor.u32 $0x300, s8;
	v3 =	vor.u32 $0x380, v3;
	s15 =	sor.u32 $0x380, s1;
	v9 =	vor.u32 $0x200, v10;
	v12 =	vor.u32 $0x180, v10;
	[tilespmem:s29+$0x14600] =	vst v23;
	v15 =	vld.idx.msk [tilespmem:v16+s3+$0x0], $0xffff  }
0x73: {  	s1 =	simm.s32 $0x13C80;
	s21 =	sor.u32 $0x380, s6;
	s20 =	sor.u32 $0x380, s8;
	v5 =	vor.u32 $0x300, v10;
	v7 =	vor.u32 $0x280, v10;
	v10 =	vor.u32 $0x380, v10;
	v16 =	vld.idx.msk [tilespmem:v25+s3+$0x0], $0xffff;
	[tilespmem:s30+$0x14600] =	vst v24  }
.LBB2_3:
0x74: {  	s12 =	sadd.s32 $0x40, s12;
	v23 =	vld [tilespmem:s1+$0x0];
	[tilespmem:s26+$0x100] =	vst v19  }
0x75: {  	s4 =	sand.u32 $0x40, s12;
	s0 =	sand.u32 $0x780, s12;
	p3 =	slt.u32 s12, $0x4C0;
	[tilespmem:s23+$0x100] =	vst v17;
	v17 =	vld.idx.msk [tilespmem:v22+s3+$0x0], $0xffff  }
0x76: {  	s5 =	sor.u32 $0x10, s4;
	s0 =	sadd.s32 $0x13C00, s0;
	s10 =	sor.u32 $0x30, s4;
	v19 =	vld.idx.msk [tilespmem:v21+s3+$0x0], $0xffff;
	[tilespmem:s22+$0x100] =	vst v18  }
0x77: {  	s7 =	sor.u32 $0x20, s4;
	v18 =	vor.u32 $0x200, v2;
	s6 =	sor.u32 s5, s0;
	s8 =	sor.u32 s10, s0;
	v13 =	vld.idx.msk [tilespmem:v13+s3+$0x0], $0xffff;
	[tilespmem:s14+$0x100] =	vst v20  }
0x78: {  	v21 =	vor.u32 $0x200, v1;
	s0 =	sor.u32 s7, s0;
	v20 =	vld [tilespmem:s8+$0x0];
	[tilespmem:s9+$0x14600] =	vst v14  }
0x79: {  	v14 =	vld [tilespmem:s6+$0x0];
	[tilespmem:s2+$0x14600] =	vst v15  }
0x7a: {  	v15 =	vshll.u32 v23, $0x3;
	v22 =	vld [tilespmem:s0+$0x0];
	[tilespmem:s21+$0x14600] =	vst v16  }
0x7b: {  	v16 =	vand.u32 $0x7F, v23;
	v15 =	vand.u32 $0xFFFFFC00, v15;
	v12 =	vld.idx.msk [tilespmem:v12+s3+$0x0], $0xffff;
	[tilespmem:s26+$0x180] =	vst v17;
	v17 =	vor.u32 $0x380, v0;
	v0 =	vmovc v1  }
0x7c: {  	p2 =	por !p2, !p2;
	s0 =	simm.s32 $0x1;
	v1 =	vor.u32 v16, v15;
	[tilespmem:s23+$0x180] =	vst v19;
	v15 =	vld.idx.msk [tilespmem:v18+s3+$0x0], $0xffff  }
0x7d: {  	s0 =	simm.s32 @!p2 $0x0;
	v16 =	vshll.u32 v20, $0x3;
	v18 =	vld.idx.msk [tilespmem:v21+s3+$0x0], $0xffff;
	[tilespmem:s22+$0x180] =	vst v13  }
0x7e: {  	s0 =	sshll.u32 s0, $0x6;
	v13 =	vand.u32 $0x7F, v20;
	v16 =	vand.u32 $0xFFFFFC00, v16;
	v19 =	vld.idx.msk [tilespmem:v11+s3+$0x0], $0xffff;
	v11 =	vor.u32 $0x280, v2  }
0x7f: {  	s22 =	sadd.s32 s0, s13;
	v20 =	vshll.u32 v14, $0x3;
	v21 =	vshll.u32 v22, $0x3;
	v16 =	vor.u32 v13, v16;
	v23 =	vld.idx.msk [tilespmem:v3+s3+$0x0], $0xffff;
	v3 =	vmovc v10  }
0x80: {  	s21 =	sadd.s32 $0x10, s22;
	s23 =	sadd.s32 $0x20, s22;
	s6 =	sadd.s32 $0x30, s22;
	v10 =	vand.u32 $0x7F, v14;
	v13 =	vand.u32 $0xFFFFFC00, v20;
	v14 =	vand.u32 $0xFFFFFC00, v21;
	v17 =	vld.idx.msk [tilespmem:v17+s3+$0x0], $0xffff  }
0x81: {  	s26 =	sor.u32 $0x200, s21;
	s0 =	sor.u32 $0x200, s6;
	v10 =	vor.u32 v10, v13;
	v13 =	vand.u32 $0x7F, v22;
	v21 =	vor.u32 $0x280, v0;
	v20 =	vld.idx.msk [tilespmem:v1+s3+$0x0], $0xffff;
	[tilespmem:s14+$0x180] =	vst v12;
	s14 =	sor.u32 $0x200, s23  }
0x82: {  	s2 =	sor.u32 $0x200, s22;
	s30 =	sor.u32 $0x280, s21;
	s29 =	sor.u32 $0x280, s23;
	v22 =	vor.u32 $0x80, v10;
	v24 =	vor.u32 $0x100, v10;
	v14 =	vor.u32 v13, v14;
	v25 =	vld.idx.msk [tilespmem:v9+s3+$0x0], $0xffff;
	[tilespmem:s0+$0x14600] =	vst v15  }
0x83: {  	s8 =	sor.u32 $0x300, s21;
	s9 =	sor.u32 $0x300, s23;
	v13 =	vor.u32 $0x180, v10;
	v15 =	vor.u32 $0x80, v14;
	v26 =	vor.u32 $0x100, v14;
	s0 =	sor.u32 $0x280, s22;
	[tilespmem:s2+$0x14600] =	vst v18;
	v18 =	vld.idx.msk [tilespmem:v11+s3+$0x0], $0xffff  }
0x84: {  	s21 =	sor.u32 $0x380, s21;
	s23 =	sor.u32 $0x380, s23;
	v12 =	vor.u32 $0x180, v14;
	v9 =	vor.u32 $0x200, v14;
	v11 =	vor.u32 $0x200, v10;
	s2 =	sor.u32 $0x300, s22;
	v27 =	vld.idx.msk [tilespmem:v16+s3+$0x0], $0xffff;
	[tilespmem:s26+$0x14600] =	vst v19  }
0x85: {  	v29 =	vor.u32 $0x300, v2;
	s22 =	sor.u32 $0x380, s22;
	v19 =	vor.u32 $0x280, v14;
	v28 =	vld.idx.msk [tilespmem:v8+s3+$0x0], $0xffff;
	v8 =	vor.u32 $0x280, v10;
	[tilespmem:s20+$0x14600] =	vst v23;
	s20 =	smov.u32 s23  }
0x86: {  	s13 =	sadd.s32 $0x200, s13;
	v32 =	vor.u32 $0x80, v16;
	v30 =	vor.u32 $0x300, v10;
	v31 =	vor.u32 $0x300, v14;
	v23 =	vld.idx.msk [tilespmem:v10+s3+$0x0], $0xffff;
	[tilespmem:s15+$0x14600] =	vst v17;
	s15 =	smov.u32 s22  }
0x87: {  	v33 =	vor.u32 $0x380, v10;
	s22 =	sand.u32 $0x3C00, s13;
	v17 =	vor.u32 $0x80, v1;
	v10 =	vor.u32 $0x380, v14;
	v34 =	vld.idx.msk [tilespmem:v14+s3+$0x0], $0xffff  }
0x88: {  	s16 =	sor.u32 $0x280, s6;
	s23 =	sadd.s32 $0x14600, s22;
	v35 =	vld.idx.msk [tilespmem:v21+s3+$0x0], $0xffff;
	[tilespmem:s14+$0x14600] =	vst v25  }
0x89: {  	s22 =	sor.u32 s5, s23;
	s14 =	sor.u32 s7, s23;
	s26 =	sor.u32 s10, s23;
	v14 =	vld.idx.msk [tilespmem:v7+s3+$0x0], $0xffff;
	[tilespmem:s16+$0x14600] =	vst v18;
	v7 =	vmov v19  }
0x8a: {  	s23 =	sor.u32 s4, s23;
	[tilespmem:s26+$0x0] =	vst v27;
	v18 =	vld.idx.msk [tilespmem:v29+s3+$0x0], $0xffff  }
0x8b: {  	[tilespmem:s23+$0x0] =	vst v20;
	v19 =	vld.idx.msk [tilespmem:v32+s3+$0x0], $0xffff  }
0x8c: {  	v20 =	vor.u32 $0x380, v2;
	v2 =	vmov v16;
	v17 =	vld.idx.msk [tilespmem:v17+s3+$0x0], $0xffff;
	[tilespmem:s22+$0x0] =	vst v23  }
0x8d: {  	v21 =	vor.u32 $0x100, v2;
	v16 =	vld.idx.msk [tilespmem:v22+s3+$0x0], $0xffff;
	[tilespmem:s14+$0x0] =	vst v34  }
0x8e: {  	v22 =	vor.u32 $0x100, v1;
	v15 =	vld.idx.msk [tilespmem:v15+s3+$0x0], $0xffff;
	[tilespmem:s30+$0x14600] =	vst v28  }
0x8f: {  	s4 =	sor.u32 $0x300, s6;
	v23 =	vld.idx.msk [tilespmem:v6+s3+$0x0], $0xffff;
	[tilespmem:s29+$0x14600] =	vst v14;
	v6 =	vmov v30  }
0x90: {  	v14 =	vld.idx.msk [tilespmem:v5+s3+$0x0], $0xffff;
	[tilespmem:s4+$0x14600] =	vst v18;
	v5 =	vmov v31  }
0x91: {  	v25 =	vor.u32 $0x300, v0;
	[tilespmem:s26+$0x80] =	vst v19;
	v27 =	vld.idx.msk [tilespmem:v20+s3+$0x0], $0xffff  }
0x92: {  	[tilespmem:s23+$0x80] =	vst v17;
	v19 =	vld.idx.msk [tilespmem:v21+s3+$0x0], $0xffff  }
.Ltmp0:
0x93: {  	v17 =	vld.idx.msk [tilespmem:v22+s3+$0x0], $0xffff;
	[tilespmem:s22+$0x80] =	vst v16;
	(pc) =	sbr.rel @p3 .LBB2_3-.Ltmp0, $4  }
0x94: {  	v22 =	vor.u32 $0x180, v2;
	v18 =	vld.idx.msk [tilespmem:v24+s3+$0x0], $0xffff;
	[tilespmem:s14+$0x80] =	vst v15  }
0x95: {  	v21 =	vor.u32 $0x180, v1;
	v20 =	vld.idx.msk [tilespmem:v26+s3+$0x0], $0xffff;
	[tilespmem:s0+$0x14600] =	vst v35  }
0x96: {  	s0 =	sor.u32 $0x380, s6;
	v15 =	vld.idx.msk [tilespmem:v25+s3+$0x0], $0xffff;
	[tilespmem:s8+$0x14600] =	vst v23  }
0x97: {  	s1 =	sadd.s32 $0x40, s1;
	v16 =	vld.idx.msk [tilespmem:v4+s3+$0x0], $0xffff;
	[tilespmem:s0+$0x14600] =	vst v27;
	v4 =	vmov v33  }
0x98: {  	_ =	sdelay $0x2  }
0x99: {  	[tilespmem:s26+$0x100] =	vst v19  }
0x9a: {  	v19 =	vld.idx.msk [tilespmem:v22+s3+$0x0], $0xffff;
	[tilespmem:s22+$0x100] =	vst v18  }
0x9b: {  	v53 =	vor.u32 $0x200, v2;
	v13 =	vld.idx.msk [tilespmem:v13+s3+$0x0], $0xffff;
	_ =	sdelay $0x1  }
0x9c: {  	[tilespmem:s14+$0x100] =	vst v20  }
0x9d: {  	[tilespmem:s23+$0x100] =	vst v17;
	v12 =	vld.idx.msk [tilespmem:v12+s3+$0x0], $0xffff  }
0x9e: {  	p2 =	por !p2, !p2;
	s0 =	simm.s32 $0x1;
	v17 =	vld.idx.msk [tilespmem:v21+s3+$0x0], $0xffff;
	[tilespmem:s26+$0x180] =	vst v19  }
0x9f: {  	v54 =	vor.u32 $0x200, v1;
	s0 =	simm.s32 @!p2 $0x0;
	v18 =	vld.idx.msk [tilespmem:v53+s3+$0x0], $0xffff;
	[tilespmem:s22+$0x180] =	vst v13  }
0xa0: {  	v55 =	vor.u32 $0x280, v2;
	s0 =	sshll.u32 s0, $0x6;
	v11 =	vld.idx.msk [tilespmem:v11+s3+$0x0], $0xffff  }
0xa1: {  	s0 =	sadd.s32 s0, s13  }
0xa2: {  	s1 =	sadd.s32 $0x30, s0;
	[tilespmem:s14+$0x180] =	vst v12  }
0xa3: {  	s4 =	sadd.s32 $0x10, s0;
	s5 =	sor.u32 $0x200, s1;
	[tilespmem:s23+$0x180] =	vst v17;
	v9 =	vld.idx.msk [tilespmem:v9+s3+$0x0], $0xffff  }
0xa4: {  	s7 =	sor.u32 $0x200, s4;
	v56 =	vld.idx.msk [tilespmem:v54+s3+$0x0], $0xffff;
	[tilespmem:s5+$0x14600] =	vst v18  }
0xa5: {  	v57 =	vor.u32 $0x280, v1;
	v13 =	vld.idx.msk [tilespmem:v55+s3+$0x0], $0xffff;
	[tilespmem:s7+$0x14600] =	vst v11  }
0xa6: {  	v58 =	vor.u32 $0x300, v2;
	s6 =	sadd.s32 $0x20, s0;
	v8 =	vld.idx.msk [tilespmem:v8+s3+$0x0], $0xffff  }
0xa7: {  	[tilespmem:s9+$0x14600] =	vst v14;
	s29 =	sor.u32 $0x200, s6  }
0xa8: {  	s30 =	sor.u32 $0x200, s0;
	[tilespmem:s29+$0x14600] =	vst v9  }
0xa9: {  	v0 =	vor.u32 $0x380, v0;
	s8 =	sor.u32 $0x280, s1;
	[tilespmem:s30+$0x14600] =	vst v56;
	v7 =	vld.idx.msk [tilespmem:v7+s3+$0x0], $0xffff  }
0xaa: {  	s9 =	sor.u32 $0x280, s4;
	v59 =	vld.idx.msk [tilespmem:v57+s3+$0x0], $0xffff;
	[tilespmem:s8+$0x14600] =	vst v13  }
0xab: {  	v60 =	vor.u32 $0x300, v1;
	v11 =	vld.idx.msk [tilespmem:v58+s3+$0x0], $0xffff;
	[tilespmem:s9+$0x14600] =	vst v8  }
0xac: {  	v61 =	vor.u32 $0x380, v2;
	[tilespmem:s2+$0x14600] =	vst v15;
	v6 =	vld.idx.msk [tilespmem:v6+s3+$0x0], $0xffff  }
0xad: {  	v3 =	vld.idx.msk [tilespmem:v3+s3+$0x0], $0xffff;
	[tilespmem:s21+$0x14600] =	vst v16;
	s10 =	sor.u32 $0x280, s6  }
0xae: {  	s12 =	sor.u32 $0x280, s0;
	v0 =	vld.idx.msk [tilespmem:v0+s3+$0x0], $0xffff;
	[tilespmem:s10+$0x14600] =	vst v7  }
0xaf: {  	s13 =	sor.u32 $0x300, s1;
	[tilespmem:s12+$0x14600] =	vst v59;
	v5 =	vld.idx.msk [tilespmem:v5+s3+$0x0], $0xffff  }
0xb0: {  	s14 =	sor.u32 $0x300, s4;
	v62 =	vld.idx.msk [tilespmem:v60+s3+$0x0], $0xffff;
	[tilespmem:s13+$0x14600] =	vst v11  }
0xb1: {  	v63 =	vor.u32 $0x380, v1;
	v2 =	vld.idx.msk [tilespmem:v61+s3+$0x0], $0xffff;
	[tilespmem:s14+$0x14600] =	vst v6  }
0xb2: {  	[tilespmem:s20+$0x14600] =	vst v3;
	v4 =	vld.idx.msk [tilespmem:v4+s3+$0x0], $0xffff  }
0xb3: {  	s16 =	sor.u32 $0x300, s6;
	[tilespmem:s15+$0x14600] =	vst v0  }
0xb4: {  	s21 =	sor.u32 $0x300, s0;
	[tilespmem:s16+$0x14600] =	vst v5  }
0xb5: {  	s1 =	sor.u32 $0x380, s1;
	[tilespmem:s21+$0x14600] =	vst v62;
	v5 =	vld.idx.msk [tilespmem:v10+s3+$0x0], $0xffff  }
0xb6: {  	s4 =	sor.u32 $0x380, s4;
	v1 =	vld.idx.msk [tilespmem:v63+s3+$0x0], $0xffff;
	s5 =	rddreg [dreg:$0x15];
	[tilespmem:s1+$0x14600] =	vst v2  }
0xb7: {  	s22 =	smul.u32 $0x5000, s5;
	p2 =	sne.s32 s5, $0x7C;
	[tilespmem:s4+$0x14600] =	vst v4  }
.Ltmp1:
0xb8: {  	s4 =	rddreg [dreg:$0x9];
	(pc) =	sbr.rel @p2 .LBB2_6-.Ltmp1, $4  }
0xb9: {  	s23 =	sor.u32 $0x380, s6;
	s2 =	sadd.s32 s4, s22  }
0xba: {  	s0 =	sor.u32 $0x380, s0;
	s29 =	rddreg [dreg:$0x2];
	[tilespmem:s23+$0x14600] =	vst v5;
	s26 =	sshrl.u32 s2, $0x3  }
0xbb: {  	s30 =	simm.s32 $0x14600;
	[tilespmem:s0+$0x14600] =	vst v1;
	s0 =	sadd.s32 s29, s26  }
0xbc: {  	[hbm4b:s0+s3] =	stream.linear.scatter [tilespmem:s30], [sflag:$0x3], $0x2800, $0x38;
	[tilespmem:$0x1E600] =	vst v63  }
.Ltmp2:
0xbd: {  	(pc) =	sbr.rel .LBB2_7-.Ltmp2, $4  }
0xbe: {  	_ = 	snop  }
0xbf: {  	_ =	swait.ge [sflag:s24], $0x500  }
0xc0: {  	[sflag:s24] =	ssyncset.done $0x0  }
0xc1: {  	[sflag:s24] =	ssyncadd.s32 $0xFFFFFB00  }
.LBB2_6:
0xc2: {  	s0 =	rddreg [dreg:$0xd]  }
0xc3: {  	s1 =	rddreg [dreg:$0x17]  }
0xc4: {  	s0 =	sadd.s32 s1, s0  }
0xc5: {  	s29 =	rddreg [dreg:$0xa];
	s0 =	sshrl.u32 s0, $0x3  }
.Ltmp3:
0xc6: {  	s30 =	simm.s32 $0x13C00;
	s0 =	sadd.s32 s29, s0;
	(pc) =	sbr.rel @p1 .LBB2_8-.Ltmp3, $4  }
0xc7: {  	[tilespmem:s30], [sflag:$0x1] =	stream.linear.gather [hbm4b:s0+s3], $0x500, $0x38;
	[tilespmem:$0x1E600] =	vst v63  }
0xc8: {  	_ =	swait.ge [sflag:s24], $0x500  }
0xc9: {  	[sflag:s24] =	ssyncset.done $0x0  }
0xca: {  	[sflag:s24] =	ssyncadd.s32 $0xFFFFFB00  }
.LBB2_7:
0xcb: {  	_ =	swait.ge [sflag:s25], $0x2800  }
0xcc: {  	[sflag:s25] =	ssyncset.done $0x0  }
0xcd: {  	[sflag:s25] =	ssyncadd.s32 $0xFFFFD800  }
.LBB2_8:
0xce: {  	s0 =	simm.s32 $0x0  }
0xcf: {  	s1 =	sand.u32 $0x40, s0;
	s0 =	sand.u32 $0x780, s0  }
0xd0: {  	s0 =	sadd.s32 $0x14100, s0;
	s2 =	sor.u32 $0x30, s1  }
0xd1: {  	s4 =	sor.u32 s2, s0  }
0xd2: {  	s5 =	simm.s32 $0x14100;
	v0 =	vld [tilespmem:s4+$0x0]  }
0xd3: {  	v1 =	vld [tilespmem:s5+$0x0];
	s14 =	sor.u32 $0x10, s1  }
0xd4: {  	s6 =	sor.u32 $0x20, s1;
	s15 =	sor.u32 s14, s0  }
0xd5: {  	s0 =	sor.u32 s6, s0;
	v2 =	vld [tilespmem:s15+$0x0]  }
0xd6: {  	v3 =	vld [tilespmem:s0+$0x0]  }
0xd7: {  	v4 =	vshll.u32 v0, $0x3  }
0xd8: {  	v5 =	vshll.u32 v1, $0x3;
	v0 =	vand.u32 $0x7F, v0;
	v4 =	vand.u32 $0xFFFFFC00, v4  }
0xd9: {  	v1 =	vand.u32 $0x7F, v1;
	v6 =	vand.u32 $0xFFFFFC00, v5;
	v5 =	vor.u32 v0, v4  }
0xda: {  	v0 =	vor.u32 v1, v6;
	v1 =	vshll.u32 v2, $0x3  }
0xdb: {  	v4 =	vshll.u32 v3, $0x3;
	v2 =	vand.u32 $0x7F, v2;
	v1 =	vand.u32 $0xFFFFFC00, v1  }
0xdc: {  	v6 =	vand.u32 $0xFFFFFC00, v4;
	v4 =	vor.u32 v2, v1;
	v1 =	vand.u32 $0x7F, v3  }
0xdd: {  	v3 =	vor.u32 v1, v6  }
0xde: {  	v1 =	vld.idx.msk [tilespmem:v5+s3+$0x0], $0xffff  }
0xdf: {  	s16 =	simm.s32 $0x0;
	v6 =	vor.u32 $0x80, v5;
	v2 =	vld.idx.msk [tilespmem:v0+s3+$0x0], $0xffff  }
0xe0: {  	s0 =	sand.u32 $0x3C00, s16;
	v7 =	vor.u32 $0x80, v0  }
0xe1: {  	s0 =	sadd.s32 $0x16E00, s0;
	v8 =	vld.idx.msk [tilespmem:v4+s3+$0x0], $0xffff  }
0xe2: {  	s9 =	sor.u32 s2, s0;
	v9 =	vor.u32 $0x80, v4;
	v10 =	vld.idx.msk [tilespmem:v3+s3+$0x0], $0xffff  }
0xe3: {  	s1 =	sor.u32 s1, s0;
	v11 =	vor.u32 $0x80, v3;
	[tilespmem:s9+$0x0] =	vst v1  }
0xe4: {  	[tilespmem:s1+$0x0] =	vst v2;
	v1 =	vld.idx.msk [tilespmem:v6+s3+$0x0], $0xffff  }
0xe5: {  	s4 =	sor.u32 s14, s0;
	v2 =	vld.idx.msk [tilespmem:v7+s3+$0x0], $0xffff;
	v6 =	vor.u32 $0x100, v5  }
0xe6: {  	s6 =	sor.u32 s6, s0;
	v7 =	vor.u32 $0x100, v0;
	[tilespmem:s4+$0x0] =	vst v8  }
0xe7: {  	v8 =	vld.idx.msk [tilespmem:v9+s3+$0x0], $0xffff;
	[tilespmem:s6+$0x0] =	vst v10  }
0xe8: {  	v9 =	vor.u32 $0x100, v4;
	v10 =	vld.idx.msk [tilespmem:v11+s3+$0x0], $0xffff  }
0xe9: {  	v11 =	vor.u32 $0x100, v3;
	[tilespmem:s9+$0x80] =	vst v1  }
0xea: {  	[tilespmem:s1+$0x80] =	vst v2;
	v1 =	vld.idx.msk [tilespmem:v6+s3+$0x0], $0xffff  }
0xeb: {  	v2 =	vld.idx.msk [tilespmem:v7+s3+$0x0], $0xffff;
	v6 =	vor.u32 $0x180, v5  }
0xec: {  	v7 =	vor.u32 $0x180, v0;
	[tilespmem:s4+$0x80] =	vst v8  }
0xed: {  	v8 =	vld.idx.msk [tilespmem:v9+s3+$0x0], $0xffff;
	[tilespmem:s6+$0x80] =	vst v10  }
0xee: {  	s20 =	simm.s32 $0x14140;
	s8 =	simm.s32 $0x40;
	v9 =	vor.u32 $0x180, v4;
	v10 =	vld.idx.msk [tilespmem:v11+s3+$0x0], $0xffff  }
0xef: {  	s21 =	sand.u32 $0x40, s8;
	s14 =	sand.u32 $0x780, s8;
	v11 =	vld [tilespmem:s20+$0x0];
	[tilespmem:s9+$0x100] =	vst v1  }
0xf0: {  	s7 =	sor.u32 $0x30, s21;
	s10 =	sadd.s32 $0x14100, s14;
	[tilespmem:s1+$0x100] =	vst v2;
	v1 =	vld.idx.msk [tilespmem:v6+s3+$0x0], $0xffff  }
0xf1: {  	s15 =	sor.u32 s7, s10;
	v2 =	vor.u32 $0x180, v3;
	v6 =	vld.idx.msk [tilespmem:v7+s3+$0x0], $0xffff  }
0xf2: {  	s16 =	sor.u32 $0x10, s21;
	v7 =	vor.u32 $0x200, v5;
	[tilespmem:s4+$0x100] =	vst v8;
	v8 =	vld [tilespmem:s15+$0x0]  }
0xf3: {  	s12 =	sor.u32 s16, s10;
	s20 =	sor.u32 $0x20, s21;
	v9 =	vld.idx.msk [tilespmem:v9+s3+$0x0], $0xffff  }
0xf4: {  	v13 =	vld [tilespmem:s12+$0x0];
	v12 =	vor.u32 $0x200, v4;
	s10 =	sor.u32 s20, s10;
	v14 =	vshll.u32 v11, $0x3  }
0xf5: {  	v15 =	vld [tilespmem:s10+$0x0];
	[tilespmem:s6+$0x100] =	vst v10;
	v10 =	vor.u32 $0x200, v0;
	v11 =	vand.u32 $0x7F, v11;
	v14 =	vand.u32 $0xFFFFFC00, v14  }
0xf6: {  	p1 =	por $0x0, $0x0;
	v16 =	vld.idx.msk [tilespmem:v2+s3+$0x0], $0xffff;
	[tilespmem:s9+$0x180] =	vst v1;
	v1 =	vor.u32 v11, v14;
	s9 =	simm.s32 $0x1  }
0xf7: {  	v11 =	vor.u32 $0x200, v3;
	v7 =	vld.idx.msk [tilespmem:v7+s3+$0x0], $0xffff;
	v2 =	vshll.u32 v8, $0x3;
	s9 =	simm.s32 @!p1 $0x0  }
0xf8: {  	v8 =	vand.u32 $0x7F, v8;
	[tilespmem:s4+$0x180] =	vst v9;
	v2 =	vand.u32 $0xFFFFFC00, v2;
	s22 =	sshll.u32 s9, $0x6;
	v9 =	vor.u32 $0x280, v5  }
0xf9: {  	v14 =	vor.u32 $0x280, v4;
	[tilespmem:s1+$0x180] =	vst v6;
	v6 =	vld.idx.msk [tilespmem:v12+s3+$0x0], $0xffff;
	v12 =	vshll.u32 v13, $0x3;
	v2 =	vor.u32 v8, v2;
	s1 =	sadd.s32 $0x0, s22  }
0xfa: {  	v8 =	vld.idx.msk [tilespmem:v10+s3+$0x0], $0xffff;
	v10 =	vshll.u32 v15, $0x3;
	v13 =	vand.u32 $0x7F, v13;
	v12 =	vand.u32 $0xFFFFFC00, v12;
	s4 =	sadd.s32 $0x30, s1  }
0xfb: {  	v10 =	vand.u32 $0xFFFFFC00, v10;
	[tilespmem:s6+$0x180] =	vst v16;
	v17 =	vld.idx.msk [tilespmem:v1+s3+$0x0], $0xffff;
	v21 =	vor.u32 v13, v12;
	v12 =	vand.u32 $0x7F, v15;
	s23 =	sor.u32 $0x200, s4  }
0xfc: {  	s6 =	sadd.s32 $0x10, s1;
	v11 =	vld.idx.msk [tilespmem:v11+s3+$0x0], $0xffff;
	v10 =	vor.u32 v12, v10;
	[tilespmem:s23+$0x16E00] =	vst v7  }
0xfd: {  	s26 =	sor.u32 $0x200, s6;
	v7 =	vor.u32 $0x280, v0;
	v9 =	vld.idx.msk [tilespmem:v9+s3+$0x0], $0xffff  }
0xfe: {  	s12 =	simm.s32 $0x200;
	s29 =	sor.u32 $0x200, s1;
	v12 =	vor.u32 $0x280, v3;
	v13 =	vld.idx.msk [tilespmem:v2+s3+$0x0], $0xffff;
	[tilespmem:s26+$0x16E00] =	vst v6  }
0xff: {  	s30 =	sand.u32 $0x3C00, s12;
	s10 =	sadd.s32 $0x20, s1;
	[tilespmem:s29+$0x16E00] =	vst v8;
	v8 =	vor.u32 $0x80, v1;
	v6 =	vld.idx.msk [tilespmem:v14+s3+$0x0], $0xffff  }
0x100: {  	s9 =	sadd.s32 $0x16E00, s30;
	s13 =	sor.u32 $0x200, s10;
	v14 =	vor.u32 $0x300, v5;
	v15 =	vld.idx.msk [tilespmem:v21+s3+$0x0], $0xffff  }
0x101: {  	s22 =	sor.u32 s21, s9;
	v16 =	vor.u32 $0x80, v2;
	[tilespmem:s13+$0x16E00] =	vst v11;
	v18 =	vld.idx.msk [tilespmem:v10+s3+$0x0], $0xffff  }
0x102: {  	s14 =	sor.u32 $0x280, s4;
	v19 =	vor.u32 $0x80, v21;
	[tilespmem:s22+$0x0] =	vst v17;
	v22 =	vld.idx.msk [tilespmem:v7+s3+$0x0], $0xffff  }
0x103: {  	s23 =	sor.u32 s7, s9;
	v7 =	vor.u32 $0x80, v10;
	v11 =	vld.idx.msk [tilespmem:v12+s3+$0x0], $0xffff;
	[tilespmem:s14+$0x16E00] =	vst v9  }
0x104: {  	s15 =	sor.u32 $0x280, s6;
	v9 =	vor.u32 $0x300, v4;
	[tilespmem:s23+$0x0] =	vst v13;
	v8 =	vld.idx.msk [tilespmem:v8+s3+$0x0], $0xffff  }
0x105: {  	s21 =	sor.u32 s16, s9;
	v13 =	vor.u32 $0x300, v3;
	v12 =	vld.idx.msk [tilespmem:v14+s3+$0x0], $0xffff;
	[tilespmem:s15+$0x16E00] =	vst v6  }
0x106: {  	v5 =	vor.u32 $0x380, v5;
	s14 =	sor.u32 s20, s9;
	v16 =	vld.idx.msk [tilespmem:v16+s3+$0x0], $0xffff;
	[tilespmem:s21+$0x0] =	vst v15  }
0x107: {  	s16 =	sor.u32 $0x280, s10;
	v17 =	vor.u32 $0x100, v2;
	v15 =	vld.idx.msk [tilespmem:v19+s3+$0x0], $0xffff;
	[tilespmem:s14+$0x0] =	vst v18  }
0x108: {  	s26 =	sor.u32 $0x280, s1;
	v18 =	vor.u32 $0x100, v1;
	[tilespmem:s16+$0x16E00] =	vst v11;
	v7 =	vld.idx.msk [tilespmem:v7+s3+$0x0], $0xffff  }
0x109: {  	s20 =	sor.u32 $0x300, s4;
	v6 =	vor.u32 $0x100, v21;
	[tilespmem:s26+$0x16E00] =	vst v22;
	v23 =	vld.idx.msk [tilespmem:v9+s3+$0x0], $0xffff  }
0x10a: {  	v20 =	vor.u32 $0x100, v10;
	v14 =	vld.idx.msk [tilespmem:v13+s3+$0x0], $0xffff;
	[tilespmem:s20+$0x16E00] =	vst v12  }
0x10b: {  	[tilespmem:s23+$0x80] =	vst v16;
	v16 =	vor.u32 $0x300, v0;
	v24 =	vld.idx.msk [tilespmem:v5+s3+$0x0], $0xffff  }
0x10c: {  	v25 =	vor.u32 $0x380, v4;
	[tilespmem:s22+$0x80] =	vst v8;
	v19 =	vld.idx.msk [tilespmem:v17+s3+$0x0], $0xffff  }
0x10d: {  	v4 =	vor.u32 $0x380, v21;
	v17 =	vld.idx.msk [tilespmem:v18+s3+$0x0], $0xffff;
	[tilespmem:s21+$0x80] =	vst v15  }
0x10e: {  	v11 =	vor.u32 $0x200, v21;
	v22 =	vor.u32 $0x180, v2;
	v13 =	vor.u32 $0x180, v21;
	v18 =	vld.idx.msk [tilespmem:v6+s3+$0x0], $0xffff;
	[tilespmem:s14+$0x80] =	vst v7  }
0x10f: {  	s2 =	sor.u32 $0x300, s1;
	s29 =	sor.u32 $0x300, s6;
	v8 =	vor.u32 $0x280, v21;
	v6 =	vor.u32 $0x300, v21;
	v21 =	vor.u32 $0x180, v1;
	v20 =	vld.idx.msk [tilespmem:v20+s3+$0x0], $0xffff  }
0x110: {  	s30 =	sor.u32 $0x380, s4;
	s13 =	sor.u32 $0x380, s1;
	s1 =	simm.s32 $0x14180;
	v3 =	vor.u32 $0x380, v3;
	v9 =	vor.u32 $0x200, v10;
	v12 =	vor.u32 $0x180, v10;
	[tilespmem:s29+$0x16E00] =	vst v23;
	v15 =	vld.idx.msk [tilespmem:v16+s3+$0x0], $0xffff  }
0x111: {  	s9 =	sor.u32 $0x300, s10;
	s15 =	sor.u32 $0x380, s10;
	s20 =	sor.u32 $0x380, s6;
	v5 =	vor.u32 $0x300, v10;
	v7 =	vor.u32 $0x280, v10;
	v10 =	vor.u32 $0x380, v10;
	v16 =	vld.idx.msk [tilespmem:v25+s3+$0x0], $0xffff;
	[tilespmem:s30+$0x16E00] =	vst v24  }
.LBB2_9:
0x112: {  	s8 =	sadd.s32 $0x40, s8;
	v23 =	vld [tilespmem:s1+$0x0];
	[tilespmem:s23+$0x100] =	vst v19  }
0x113: {  	s4 =	sand.u32 $0x40, s8;
	s0 =	sand.u32 $0x780, s8;
	p2 =	slt.u32 s8, $0x4C0;
	[tilespmem:s22+$0x100] =	vst v17;
	v17 =	vld.idx.msk [tilespmem:v22+s3+$0x0], $0xffff  }
0x114: {  	s5 =	sor.u32 $0x10, s4;
	s0 =	sadd.s32 $0x14100, s0;
	s10 =	sor.u32 $0x30, s4;
	v19 =	vld.idx.msk [tilespmem:v21+s3+$0x0], $0xffff;
	[tilespmem:s21+$0x100] =	vst v18  }
0x115: {  	s7 =	sor.u32 $0x20, s4;
	v18 =	vor.u32 $0x200, v2;
	s6 =	sor.u32 s5, s0;
	s16 =	sor.u32 s10, s0;
	v13 =	vld.idx.msk [tilespmem:v13+s3+$0x0], $0xffff;
	[tilespmem:s14+$0x100] =	vst v20  }
0x116: {  	v21 =	vor.u32 $0x200, v1;
	s0 =	sor.u32 s7, s0;
	v20 =	vld [tilespmem:s16+$0x0];
	[tilespmem:s9+$0x16E00] =	vst v14  }
0x117: {  	v14 =	vld [tilespmem:s6+$0x0];
	[tilespmem:s2+$0x16E00] =	vst v15  }
0x118: {  	v15 =	vshll.u32 v23, $0x3;
	v22 =	vld [tilespmem:s0+$0x0];
	[tilespmem:s20+$0x16E00] =	vst v16  }
0x119: {  	v16 =	vand.u32 $0x7F, v23;
	v15 =	vand.u32 $0xFFFFFC00, v15;
	v12 =	vld.idx.msk [tilespmem:v12+s3+$0x0], $0xffff;
	[tilespmem:s23+$0x180] =	vst v17;
	v17 =	vor.u32 $0x380, v0;
	v0 =	vmovc v1  }
0x11a: {  	p1 =	por !p1, !p1;
	s0 =	simm.s32 $0x1;
	v1 =	vor.u32 v16, v15;
	[tilespmem:s22+$0x180] =	vst v19;
	v15 =	vld.idx.msk [tilespmem:v18+s3+$0x0], $0xffff  }
0x11b: {  	s0 =	simm.s32 @!p1 $0x0;
	v16 =	vshll.u32 v20, $0x3;
	v18 =	vld.idx.msk [tilespmem:v21+s3+$0x0], $0xffff;
	[tilespmem:s21+$0x180] =	vst v13  }
0x11c: {  	s0 =	sshll.u32 s0, $0x6;
	v13 =	vand.u32 $0x7F, v20;
	v16 =	vand.u32 $0xFFFFFC00, v16;
	v19 =	vld.idx.msk [tilespmem:v11+s3+$0x0], $0xffff;
	v11 =	vor.u32 $0x280, v2  }
0x11d: {  	s16 =	sadd.s32 s0, s12;
	v20 =	vshll.u32 v14, $0x3;
	v21 =	vshll.u32 v22, $0x3;
	v16 =	vor.u32 v13, v16;
	v23 =	vld.idx.msk [tilespmem:v3+s3+$0x0], $0xffff;
	v3 =	vmovc v10  }
0x11e: {  	s20 =	sadd.s32 $0x10, s16;
	s21 =	sadd.s32 $0x20, s16;
	s6 =	sadd.s32 $0x30, s16;
	v10 =	vand.u32 $0x7F, v14;
	v13 =	vand.u32 $0xFFFFFC00, v20;
	v14 =	vand.u32 $0xFFFFFC00, v21;
	v17 =	vld.idx.msk [tilespmem:v17+s3+$0x0], $0xffff  }
0x11f: {  	s22 =	sor.u32 $0x200, s20;
	s0 =	sor.u32 $0x200, s6;
	v10 =	vor.u32 v10, v13;
	v13 =	vand.u32 $0x7F, v22;
	v21 =	vor.u32 $0x280, v0;
	v20 =	vld.idx.msk [tilespmem:v1+s3+$0x0], $0xffff;
	[tilespmem:s14+$0x180] =	vst v12;
	s14 =	sor.u32 $0x200, s21  }
0x120: {  	s2 =	sor.u32 $0x200, s16;
	s30 =	sor.u32 $0x280, s20;
	s29 =	sor.u32 $0x280, s21;
	v22 =	vor.u32 $0x80, v10;
	v24 =	vor.u32 $0x100, v10;
	v14 =	vor.u32 v13, v14;
	v25 =	vld.idx.msk [tilespmem:v9+s3+$0x0], $0xffff;
	[tilespmem:s0+$0x16E00] =	vst v15  }
0x121: {  	s26 =	sor.u32 $0x300, s20;
	s9 =	sor.u32 $0x300, s21;
	v13 =	vor.u32 $0x180, v10;
	v15 =	vor.u32 $0x80, v14;
	v26 =	vor.u32 $0x100, v14;
	s0 =	sor.u32 $0x280, s16;
	[tilespmem:s2+$0x16E00] =	vst v18;
	v18 =	vld.idx.msk [tilespmem:v11+s3+$0x0], $0xffff  }
0x122: {  	s20 =	sor.u32 $0x380, s20;
	s21 =	sor.u32 $0x380, s21;
	v12 =	vor.u32 $0x180, v14;
	v9 =	vor.u32 $0x200, v14;
	v11 =	vor.u32 $0x200, v10;
	s2 =	sor.u32 $0x300, s16;
	v27 =	vld.idx.msk [tilespmem:v16+s3+$0x0], $0xffff;
	[tilespmem:s22+$0x16E00] =	vst v19  }
0x123: {  	v29 =	vor.u32 $0x300, v2;
	s16 =	sor.u32 $0x380, s16;
	v19 =	vor.u32 $0x280, v14;
	v28 =	vld.idx.msk [tilespmem:v8+s3+$0x0], $0xffff;
	v8 =	vor.u32 $0x280, v10;
	[tilespmem:s15+$0x16E00] =	vst v23;
	s15 =	smov.u32 s21  }
0x124: {  	s12 =	sadd.s32 $0x200, s12;
	v32 =	vor.u32 $0x80, v16;
	v30 =	vor.u32 $0x300, v10;
	v31 =	vor.u32 $0x300, v14;
	v23 =	vld.idx.msk [tilespmem:v10+s3+$0x0], $0xffff;
	[tilespmem:s13+$0x16E00] =	vst v17;
	s13 =	smov.u32 s16  }
0x125: {  	v33 =	vor.u32 $0x380, v10;
	s16 =	sand.u32 $0x3C00, s12;
	v17 =	vor.u32 $0x80, v1;
	v10 =	vor.u32 $0x380, v14;
	v34 =	vld.idx.msk [tilespmem:v14+s3+$0x0], $0xffff  }
0x126: {  	s22 =	sor.u32 $0x280, s6;
	s16 =	sadd.s32 $0x16E00, s16;
	v35 =	vld.idx.msk [tilespmem:v21+s3+$0x0], $0xffff;
	[tilespmem:s14+$0x16E00] =	vst v25  }
0x127: {  	s21 =	sor.u32 s5, s16;
	s14 =	sor.u32 s7, s16;
	s23 =	sor.u32 s10, s16;
	v14 =	vld.idx.msk [tilespmem:v7+s3+$0x0], $0xffff;
	[tilespmem:s22+$0x16E00] =	vst v18;
	v7 =	vmov v19  }
0x128: {  	s22 =	sor.u32 s4, s16;
	[tilespmem:s23+$0x0] =	vst v27;
	v18 =	vld.idx.msk [tilespmem:v29+s3+$0x0], $0xffff  }
0x129: {  	[tilespmem:s22+$0x0] =	vst v20;
	v19 =	vld.idx.msk [tilespmem:v32+s3+$0x0], $0xffff  }
0x12a: {  	v20 =	vor.u32 $0x380, v2;
	v2 =	vmov v16;
	v17 =	vld.idx.msk [tilespmem:v17+s3+$0x0], $0xffff;
	[tilespmem:s21+$0x0] =	vst v23  }
0x12b: {  	v21 =	vor.u32 $0x100, v2;
	v16 =	vld.idx.msk [tilespmem:v22+s3+$0x0], $0xffff;
	[tilespmem:s14+$0x0] =	vst v34  }
0x12c: {  	v22 =	vor.u32 $0x100, v1;
	v15 =	vld.idx.msk [tilespmem:v15+s3+$0x0], $0xffff;
	[tilespmem:s30+$0x16E00] =	vst v28  }
0x12d: {  	s4 =	sor.u32 $0x300, s6;
	v23 =	vld.idx.msk [tilespmem:v6+s3+$0x0], $0xffff;
	[tilespmem:s29+$0x16E00] =	vst v14;
	v6 =	vmov v30  }
0x12e: {  	v14 =	vld.idx.msk [tilespmem:v5+s3+$0x0], $0xffff;
	[tilespmem:s4+$0x16E00] =	vst v18;
	v5 =	vmov v31  }
0x12f: {  	v25 =	vor.u32 $0x300, v0;
	[tilespmem:s23+$0x80] =	vst v19;
	v27 =	vld.idx.msk [tilespmem:v20+s3+$0x0], $0xffff  }
0x130: {  	[tilespmem:s22+$0x80] =	vst v17;
	v19 =	vld.idx.msk [tilespmem:v21+s3+$0x0], $0xffff  }
.Ltmp4:
0x131: {  	v17 =	vld.idx.msk [tilespmem:v22+s3+$0x0], $0xffff;
	[tilespmem:s21+$0x80] =	vst v16;
	(pc) =	sbr.rel @p2 .LBB2_9-.Ltmp4, $4  }
0x132: {  	v22 =	vor.u32 $0x180, v2;
	v18 =	vld.idx.msk [tilespmem:v24+s3+$0x0], $0xffff;
	[tilespmem:s14+$0x80] =	vst v15  }
0x133: {  	v21 =	vor.u32 $0x180, v1;
	v20 =	vld.idx.msk [tilespmem:v26+s3+$0x0], $0xffff;
	[tilespmem:s0+$0x16E00] =	vst v35  }
0x134: {  	s0 =	sor.u32 $0x380, s6;
	v15 =	vld.idx.msk [tilespmem:v25+s3+$0x0], $0xffff;
	[tilespmem:s26+$0x16E00] =	vst v23  }
0x135: {  	s1 =	sadd.s32 $0x40, s1;
	v16 =	vld.idx.msk [tilespmem:v4+s3+$0x0], $0xffff;
	[tilespmem:s0+$0x16E00] =	vst v27;
	v4 =	vmov v33  }
0x136: {  	_ =	sdelay $0x2  }
0x137: {  	[tilespmem:s23+$0x100] =	vst v19  }
0x138: {  	[tilespmem:s22+$0x100] =	vst v17;
	v19 =	vld.idx.msk [tilespmem:v22+s3+$0x0], $0xffff  }
0x139: {  	v53 =	vor.u32 $0x200, v2;
	[tilespmem:s21+$0x100] =	vst v18;
	v17 =	vld.idx.msk [tilespmem:v21+s3+$0x0], $0xffff  }
0x13a: {  	v54 =	vor.u32 $0x200, v1;
	v13 =	vld.idx.msk [tilespmem:v13+s3+$0x0], $0xffff;
	[tilespmem:s14+$0x100] =	vst v20  }
0x13b: {  	v12 =	vld.idx.msk [tilespmem:v12+s3+$0x0], $0xffff;
	_ =	sdelay $0x1  }
0x13c: {  	p1 =	por !p1, !p1;
	s0 =	simm.s32 $0x1;
	[tilespmem:s23+$0x180] =	vst v19  }
0x13d: {  	s0 =	simm.s32 @!p1 $0x0;
	[tilespmem:s22+$0x180] =	vst v17;
	v18 =	vld.idx.msk [tilespmem:v53+s3+$0x0], $0xffff  }
0x13e: {  	v55 =	vor.u32 $0x280, v2;
	s0 =	sshll.u32 s0, $0x6;
	[tilespmem:s21+$0x180] =	vst v13;
	v56 =	vld.idx.msk [tilespmem:v54+s3+$0x0], $0xffff  }
0x13f: {  	v57 =	vor.u32 $0x280, v1;
	s0 =	sadd.s32 s0, s12;
	v11 =	vld.idx.msk [tilespmem:v11+s3+$0x0], $0xffff;
	[tilespmem:s14+$0x180] =	vst v12  }
0x140: {  	s1 =	sadd.s32 $0x30, s0;
	v9 =	vld.idx.msk [tilespmem:v9+s3+$0x0], $0xffff  }
0x141: {  	s5 =	sor.u32 $0x200, s1  }
0x142: {  	s4 =	sadd.s32 $0x10, s0;
	s8 =	sor.u32 $0x200, s0;
	[tilespmem:s5+$0x16E00] =	vst v18  }
0x143: {  	s6 =	sadd.s32 $0x20, s0;
	s7 =	sor.u32 $0x200, s4;
	[tilespmem:s8+$0x16E00] =	vst v56;
	v13 =	vld.idx.msk [tilespmem:v55+s3+$0x0], $0xffff  }
0x144: {  	v58 =	vor.u32 $0x300, v2;
	s30 =	sor.u32 $0x200, s6;
	[tilespmem:s7+$0x16E00] =	vst v11;
	v59 =	vld.idx.msk [tilespmem:v57+s3+$0x0], $0xffff  }
0x145: {  	v60 =	vor.u32 $0x300, v1;
	v8 =	vld.idx.msk [tilespmem:v8+s3+$0x0], $0xffff;
	[tilespmem:s30+$0x16E00] =	vst v9  }
0x146: {  	v7 =	vld.idx.msk [tilespmem:v7+s3+$0x0], $0xffff  }
0x147: {  	[tilespmem:s9+$0x16E00] =	vst v14;
	s10 =	sor.u32 $0x280, s1  }
0x148: {  	s16 =	sor.u32 $0x280, s0;
	[tilespmem:s10+$0x16E00] =	vst v13  }
0x149: {  	v0 =	vor.u32 $0x380, v0;
	s12 =	sor.u32 $0x280, s4;
	[tilespmem:s16+$0x16E00] =	vst v59;
	v11 =	vld.idx.msk [tilespmem:v58+s3+$0x0], $0xffff  }
0x14a: {  	v61 =	vor.u32 $0x380, v2;
	s14 =	sor.u32 $0x280, s6;
	[tilespmem:s12+$0x16E00] =	vst v8;
	v62 =	vld.idx.msk [tilespmem:v60+s3+$0x0], $0xffff  }
0x14b: {  	v63 =	vor.u32 $0x380, v1;
	v6 =	vld.idx.msk [tilespmem:v6+s3+$0x0], $0xffff;
	[tilespmem:s14+$0x16E00] =	vst v7  }
0x14c: {  	[tilespmem:s2+$0x16E00] =	vst v15;
	v5 =	vld.idx.msk [tilespmem:v5+s3+$0x0], $0xffff  }
0x14d: {  	v3 =	vld.idx.msk [tilespmem:v3+s3+$0x0], $0xffff;
	[tilespmem:s20+$0x16E00] =	vst v16;
	s20 =	sor.u32 $0x300, s1  }
0x14e: {  	v0 =	vld.idx.msk [tilespmem:v0+s3+$0x0], $0xffff;
	s23 =	sor.u32 $0x300, s0;
	[tilespmem:s20+$0x16E00] =	vst v11  }
0x14f: {  	s21 =	sor.u32 $0x300, s4;
	[tilespmem:s23+$0x16E00] =	vst v62;
	v2 =	vld.idx.msk [tilespmem:v61+s3+$0x0], $0xffff  }
0x150: {  	s22 =	sor.u32 $0x300, s6;
	[tilespmem:s21+$0x16E00] =	vst v6;
	v1 =	vld.idx.msk [tilespmem:v63+s3+$0x0], $0xffff  }
0x151: {  	v4 =	vld.idx.msk [tilespmem:v4+s3+$0x0], $0xffff;
	[tilespmem:s22+$0x16E00] =	vst v5  }
0x152: {  	[tilespmem:s15+$0x16E00] =	vst v3;
	v5 =	vld.idx.msk [tilespmem:v10+s3+$0x0], $0xffff  }
0x153: {  	s1 =	sor.u32 $0x380, s1;
	[tilespmem:s13+$0x16E00] =	vst v0  }
0x154: {  	s0 =	sor.u32 $0x380, s0;
	[tilespmem:s1+$0x16E00] =	vst v2  }
0x155: {  	s26 =	sor.u32 $0x380, s4;
	[tilespmem:s0+$0x16E00] =	vst v1  }
0x156: {  	s29 =	sor.u32 $0x380, s6;
	[tilespmem:s26+$0x16E00] =	vst v4  }
0x157: {  	[tilespmem:s29+$0x16E00] =	vst v5  }
0x158: {  	s2 =	rddreg [dreg:$0x15]  }
0x159: {  	s2 =	sadd.s32 $0x1, s2  }
0x15a: {  	p1 =	sne.s32 s2, $0x7D  }
.Ltmp5:
0x15b: {  	_ = 	snop;
	(pc) =	sbr.rel @p1 .LBB2_2-.Ltmp5, $4  }
0x15c: {  	s0 =	rddreg [dreg:$0xe]  }
0x15d: {  	s1 =	rddreg [dreg:$0x16]  }
0x15e: {  	s30 =	simm.s32 $0x16E00;
	s0 =	sadd.s32 s1, s0  }
0x15f: {  	[hbm4b:s0+s3] =	stream.linear.scatter [tilespmem:s30], [sflag:$0x4], $0x2800, $0x38;
	[tilespmem:$0x1E600] =	vst v63  }
0x160: {  	_ =	swait.ge [sflag:s28], $0x2800  }
0x161: {  	[sflag:s28] =	ssyncset.done $0x0  }
0x162: {  	[sflag:s28] =	ssyncadd.s32 $0xFFFFD800  }
0x163: {  	_ =	swait.ge [sflag:s25], $0x2800  }
0x164: {  	s0 =	simm.s32 $0x0;
	[sflag:s25] =	ssyncset.done $0x0  }
0x165: {  	s12 =	simm.s32 $0x19600;
	s1 =	rddreg [dreg:$0xf];
	[sflag:s25] =	ssyncadd.s32 $0xFFFFD800  }
0x166: {  	[tilespmem:s12], [sflag:$0x1] =	stream.linear.gather [hbm4b:s1+s0], $0x1400, $0x38;
	[tilespmem:$0x1E600] =	vst v63  }
0x167: {  	s13 =	simm.s32 $0x1AA00;
	s22 =	rddreg [dreg:$0x10]  }
0x168: {  	[tilespmem:s13], [sflag:$0x2] =	stream.linear.gather [hbm4b:s22+s0], $0x1400, $0x38;
	[tilespmem:$0x1E600] =	vst v63  }
0x169: {  	_ =	swait.ge [sflag:s11], $0x1400  }
0x16a: {  	p1 =	por $0x1, $0x1;
	s23 =	rddreg [dreg:$0x4];
	[sflag:s11] =	ssyncset.done $0x0  }
0x16b: {  	s1 =	simm.s32 @!p1 $0x3;
	[sflag:s11] =	ssyncadd.s32 $0xFFFFEC00;
	s0 =	sadd.s32 $0x0, s23  }
0x16c: {  	[hbm4b:s0+s3] =	stream.linear.scatter [tilespmem:s12], [sflag:$0x3], $0x1400, $0x38;
	[tilespmem:$0x1E600] =	vst v63  }
0x16d: {  	_ =	swait.ge @!p1 [sflag:s1], $0x1400  }
0x16e: {  	s26 =	rddreg [dreg:$0x5];
	[sflag:s1] =	ssyncset.done @!p1 $0x0  }
0x16f: {  	[sflag:s1] =	ssyncadd.s32 @!p1 $0xFFFFEC00;
	s0 =	sadd.s32 $0x0, s26  }
0x170: {  	[tilespmem:s31], [sflag:$0x1] =	stream.linear.gather [hbm4b:s0+s3], $0x1400, $0x38;
	[tilespmem:$0x1E600] =	vst v63  }
0x171: {  	_ =	swait.ge [sflag:s24], $0x1400  }
0x172: {  	s29 =	rddreg [dreg:$0x6];
	[sflag:s24] =	ssyncset.done $0x0  }
0x173: {  	s1 =	simm.s32 @!p1 $0x4;
	[sflag:s24] =	ssyncadd.s32 $0xFFFFEC00;
	s0 =	sadd.s32 $0x0, s29  }
0x174: {  	[hbm4b:s0+s3] =	stream.linear.scatter [tilespmem:s13], [sflag:$0x4], $0x1400, $0x38;
	[tilespmem:$0x1E600] =	vst v63  }
0x175: {  	_ =	swait.ge @!p1 [sflag:s1], $0x1400  }
0x176: {  	s7 =	rddreg [dreg:$0x11]  }
0x177: {  	[sflag:s1] =	ssyncset.done @!p1 $0x0;
	s2 =	sadd.s32 $0xFFFFFFE0, s7  }
0x178: {  	s0 =	rddreg [dreg:$0x7];
	[sflag:s1] =	ssyncadd.s32 @!p1 $0xFFFFEC00;
	p1 =	sgt.u32 s2, $0x1F3  }
0x179: {  	s1 =	simm.s32 @!p1 $0x0;
	s2 =	simm.s32 @!p1 $0x1D200;
	s0 =	sadd.s32 @!p1 $0x0, s0  }
0x17a: {  	[tilespmem:s2], [sflag:$0x2] =	stream.linear.gather @!p1 [hbm4b:s0+s1], $0x1400, $0x38;
	[tilespmem:$0x1E600] =	vst v63  }
0x17b: {  	_ =	swait.ge [sflag:s11], $0x1400  }
0x17c: {  	[sflag:s11] =	ssyncset.done $0x0  }
0x17d: {  	s30 =	sadd.s32 $0x0, s19;
	s4 =	sadd.s32 $0xFFFFFFF0, s7;
	[sflag:s11] =	ssyncadd.s32 $0xFFFFEC00  }
0x17e: {  	[hbm4b:s30+s3] =	stream.linear.scatter [tilespmem:s31], [sflag:$0x3], $0x1400, $0x38;
	[tilespmem:$0x1E600] =	vst v63  }
0x17f: {  	p2 =	sgt.u32 s4, $0x1F3;
	_ =	swait.ge [sflag:s28], $0x1400  }
0x180: {  	s4 =	simm.s32 @!p2 $0x19600;
	s5 =	simm.s32 @!p2 $0x0;
	[sflag:s28] =	ssyncset.done $0x0  }
0x181: {  	s6 =	simm.s32 @!p1 $0x2;
	s0 =	sadd.s32 @!p2 $0x0, s17;
	[sflag:s28] =	ssyncadd.s32 $0xFFFFEC00  }
0x182: {  	[tilespmem:s4], [sflag:$0x1] =	stream.linear.gather @!p2 [hbm4b:s0+s5], $0x1400, $0x38;
	[tilespmem:$0x1E600] =	vst v63  }
0x183: {  	_ =	swait.ge @!p1 [sflag:s6], $0x1400  }
0x184: {  	[sflag:s6] =	ssyncset.done @!p1 $0x0  }
0x185: {  	s4 =	sadd.s32 @!p1 $0x0, s18;
	[sflag:s6] =	ssyncadd.s32 @!p1 $0xFFFFEC00  }
0x186: {  	[hbm4b:s4+s1] =	stream.linear.scatter @!p1 [tilespmem:s2], [sflag:$0x4], $0x1400, $0x38;
	[tilespmem:$0x1E600] =	vst v63  }
0x187: {  	p2 =	sgt.u32 s7, $0x1F3;
	_ =	swait.ge [sflag:s25], $0x1400  }
0x188: {  	s0 =	simm.s32 $0xA000;
	s5 =	simm.s32 @!p2 $0x1AA00;
	s10 =	rddreg [dreg:$0x13]  }
0x189: {  	s1 =	sadd.s32 $0x40, s7;
	[sflag:s25] =	ssyncset.done $0x0;
	s4 =	sadd.s32 @!p2 $0x0, s10  }
.LBB2_12:
0x18a: {  	[sflag:s25] =	ssyncadd.s32 $0xFFFFEC00;
	s6 =	simm.s32 @!p2 $0x0  }
0x18b: {  	[tilespmem:s5], [sflag:$0x2] =	stream.linear.gather @!p2 [hbm4b:s4+s6], $0x1400, $0x38;
	[tilespmem:$0x1E600] =	vst v63  }
0x18c: {  	s2 =	smov.u32 s0;
	_ =	swait.ge [sflag:s11], $0x1400  }
0x18d: {  	p2 =	seq.s32 s2, $0x0;
	s22 =	rddreg [dreg:$0x4];
	[sflag:s11] =	ssyncset.done $0x0  }
0x18e: {  	s5 =	simm.s32 @!p2 $0x3;
	[sflag:s11] =	ssyncadd.s32 $0xFFFFEC00;
	s4 =	sadd.s32 s2, s22  }
0x18f: {  	[hbm4b:s4+s3] =	stream.linear.scatter [tilespmem:s12], [sflag:$0x3], $0x1400, $0x38;
	[tilespmem:$0x1E600] =	vst v63  }
0x190: {  	_ =	swait.ge @!p2 [sflag:s5], $0x1400  }
0x191: {  	[sflag:s5] =	ssyncset.done @!p2 $0x0;
	s23 =	rddreg [dreg:$0x5]  }
0x192: {  	[sflag:s5] =	ssyncadd.s32 @!p2 $0xFFFFEC00;
	s4 =	sadd.s32 s2, s23  }
0x193: {  	[tilespmem:s31], [sflag:$0x1] =	stream.linear.gather [hbm4b:s4+s3], $0x1400, $0x38;
	[tilespmem:$0x1E600] =	vst v63  }
0x194: {  	_ =	swait.ge [sflag:s24], $0x1400  }
0x195: {  	s26 =	rddreg [dreg:$0x6];
	[sflag:s24] =	ssyncset.done $0x0  }
0x196: {  	s5 =	simm.s32 @!p2 $0x4;
	[sflag:s24] =	ssyncadd.s32 $0xFFFFEC00;
	s4 =	sadd.s32 s2, s26  }
0x197: {  	[hbm4b:s4+s3] =	stream.linear.scatter [tilespmem:s13], [sflag:$0x4], $0x1400, $0x38;
	[tilespmem:$0x1E600] =	vst v63  }
0x198: {  	_ =	swait.ge @!p2 [sflag:s5], $0x1400  }
0x199: {  	s29 =	sadd.s32 $0xFFFFFFE0, s1;
	[sflag:s5] =	ssyncset.done @!p2 $0x0  }
0x19a: {  	s6 =	rddreg [dreg:$0x7];
	[sflag:s5] =	ssyncadd.s32 @!p2 $0xFFFFEC00;
	p2 =	sgt.u32 s29, $0x1F3  }
0x19b: {  	s4 =	simm.s32 @!p2 $0x0;
	s5 =	simm.s32 @!p2 $0x1D200;
	s6 =	sadd.s32 @!p2 s2, s6  }
0x19c: {  	[tilespmem:s5], [sflag:$0x2] =	stream.linear.gather @!p2 [hbm4b:s6+s4], $0x1400, $0x38;
	[tilespmem:$0x1E600] =	vst v63  }
0x19d: {  	_ =	swait.ge [sflag:s11], $0x1400  }
0x19e: {  	[sflag:s11] =	ssyncset.done $0x0  }
0x19f: {  	s7 =	sadd.s32 $0xFFFFFFF0, s1;
	s30 =	sadd.s32 s2, s19;
	[sflag:s11] =	ssyncadd.s32 $0xFFFFEC00  }
0x1a0: {  	[hbm4b:s30+s3] =	stream.linear.scatter [tilespmem:s31], [sflag:$0x3], $0x1400, $0x38;
	[tilespmem:$0x1E600] =	vst v63  }
0x1a1: {  	s0 =	sadd.s32 $0xA000, s0;
	p3 =	sgt.u32 s7, $0x1F3;
	_ =	swait.ge [sflag:s28], $0x1400  }
0x1a2: {  	s7 =	simm.s32 @!p3 $0x19600;
	s8 =	simm.s32 @!p3 $0x0;
	[sflag:s28] =	ssyncset.done $0x0  }
0x1a3: {  	s9 =	simm.s32 @!p2 $0x2;
	s6 =	sadd.s32 @!p3 s2, s17;
	[sflag:s28] =	ssyncadd.s32 $0xFFFFEC00  }
0x1a4: {  	[tilespmem:s7], [sflag:$0x1] =	stream.linear.gather @!p3 [hbm4b:s6+s8], $0x1400, $0x38;
	[tilespmem:$0x1E600] =	vst v63  }
0x1a5: {  	p1 =	sne.s32 s0, $0x50000;
	_ =	swait.ge @!p2 [sflag:s9], $0x1400  }
.Ltmp6:
0x1a6: {  	[sflag:s9] =	ssyncset.done @!p2 $0x0;
	(pc) =	sbr.rel @p1 .LBB2_12-.Ltmp6, $4  }
0x1a7: {  	s6 =	sadd.s32 @!p2 s2, s18;
	[sflag:s9] =	ssyncadd.s32 @!p2 $0xFFFFEC00  }
0x1a8: {  	[hbm4b:s6+s4] =	stream.linear.scatter @!p2 [tilespmem:s5], [sflag:$0x4], $0x1400, $0x38;
	[tilespmem:$0x1E600] =	vst v63  }
0x1a9: {  	p2 =	sgt.u32 s1, $0x1F3;
	s1 =	sadd.s32 $0x40, s1;
	_ =	swait.ge [sflag:s25], $0x1400  }
0x1aa: {  	s4 =	sadd.s32 @!p2 s2, s10;
	s5 =	simm.s32 @!p2 $0x1AA00;
	[sflag:s25] =	ssyncset.done $0x0  }
0x1ab: {  	[sflag:s25] =	ssyncadd.s32 $0xFFFFEC00;
	s0 =	simm.s32 @!p2 $0x0  }
0x1ac: {  	[tilespmem:s5], [sflag:$0x2] =	stream.linear.gather @!p2 [hbm4b:s4+s0], $0x1400, $0x38;
	[tilespmem:$0x1E600] =	vst v63  }
0x1ad: {  	s0 =	simm.s32 @!p0 $0x4  }
0x1ae: {  	_ =	swait.ge @!p0 [sflag:s0], $0x1400  }
0x1af: {  	s2 =	rddreg [dreg:$0x14]  }
0x1b0: {  	s1 =	rddreg [dreg:$0x12];
	s2 =	sadd.s32 $0x1, s2  }
0x1b1: {  	p1 =	sne.s32 s2, s1  }
.Ltmp7:
0x1b2: {  	_ = 	snop;
	(pc) =	sbr.rel @p1 .LBB2_1-.Ltmp7, $3  }
0x1b3: {  	_ =	sdelay $0x1  }
0x1b4: {  	[sflag:s0] =	ssyncset.done @!p0 $0x0  }
0x1b5: {  	[sflag:s0] =	ssyncadd.s32 @!p0 $0xFFFFEC00  }
0x1b6: {  	_ =	sfence.sel $0x180000  }
0x1b7: {  	[bflag:$0x0] =	sbarrier.arrive $0xFFFF  }
0x1b8: {  	_ =	strace $0x90000047  }
0x1b9: {  	s0 =	stileid.u32;
	[bflag:$0x2] =	sbarrier.arrive $0xFFFF  }
0x1ba: {  	p0 =	sne.s32 s0, $0x0;
	s0 =	rddreg [dreg:$0x3]  }
0x1bb: {  	s0 =	sadd.s32 @!p0 $0x100000, s0  }
0x1bc: {  	[sflag:s0] =	ssyncadd.tile.s32 @!p0 $0x1;
	_ =	shalt  }
.Lfunc_end2:
_tile_overlayer_lowered:
.L_overlay_start_2:
0x1bd: {  	(tag) =	ssettag $0x2  }
0x1be: {  	s0 =	rddreg [dreg:$0x0];
	s2 =	stileid.u32  }
0x1bf: {  	s1 =	rddreg [dreg:$0x1];
	p0 =	sne.s32 s2, $0x0  }
0x1c0: {  	s3 =	rddreg [dreg:$0x2];
	[bflag:$0x3] =	sbarrier.arrive $0xFFFF;
	s2 =	simm.s32 @!p0 $0x1C05  }
0x1c1: {  	[timem:s3], [sflag:s2] =	dma.local @!p0 [hbm:s0], s1  }
0x1c2: {  	s0 =	simm.s32 @!p0 $0x5  }
0x1c3: {  	_ =	swait.ge @!p0 [sflag:s0], s1  }
0x1c4: {  	s1 =	ssub.s32 @!p0 $0x0, s1;
	[sflag:s0] =	ssyncset.done @!p0 $0x0  }
0x1c5: {  	[sflag:s0] =	ssyncadd.s32 @!p0 s1  }
0x1c6: {  	[bflag:$0x3] =	sbarrier.arrive $0xFFFF  }
0x1c7: {  	_ =	shalt  }

</sc_bundles>
